<compile_context>
chip_gen: v7x
topology: tpu7x:2x2x1
jax: 0.10.2.dev20260603
libtpu: 0.0.44.dev20260713+nightly
codegen_flags: <defaults>
</compile_context>

<pallas_src>
import functools

import jax
import jax.numpy as jnp
from jax import lax
from jax.experimental import pallas as pl
from jax.experimental.pallas import tpu as pltpu
from jax.experimental.pallas import tpu_sc as plsc

_D_MODEL = 4096
_N_EXP = 64
_K = 8
_BLOCK = 1024
_SPLIT = 2
_SUB = _BLOCK // _SPLIT

_NC = 2
_NS = 16
_NW = _NC * _NS
_L = 16


def _matmul_kernel(*refs):
    x_refs = refs[:_SPLIT]
    w_ref, b_ref, rw_ref = refs[_SPLIT:]
    w = w_ref[...]
    bias = b_ref[...]
    for s in range(_SPLIT):
        rw = lax.dot_general(
            x_refs[s][...], w, (((1,), (1,)), ((), ())),
            preferred_element_type=jnp.float32,
        ) + bias
        rw_ref[pl.ds(s * _SUB, _SUB), :] = rw


def _tc_routing_weights(x, W, b, row0, n_rows):
    grid = (n_rows // _BLOCK,)
    b2 = b.reshape(1, _N_EXP)
    sub0 = row0 // _SUB

    def _x_spec(s):
        return pl.BlockSpec(
            (_SUB, _D_MODEL), lambda i, s=s: (sub0 + _SPLIT * i + s, 0)
        )

    return pl.pallas_call(
        _matmul_kernel,
        grid=grid,
        in_specs=[_x_spec(s) for s in range(_SPLIT)] + [
            pl.BlockSpec((_N_EXP, _D_MODEL), lambda i: (0, 0)),
            pl.BlockSpec((1, _N_EXP), lambda i: (0, 0)),
        ],
        out_specs=pl.BlockSpec((_BLOCK, _N_EXP), lambda i: (i, 0)),
        out_shape=jax.ShapeDtypeStruct((n_rows, _N_EXP), jnp.float32),
        compiler_params=pltpu.CompilerParams(
            dimension_semantics=("parallel",),
        ),
    )(*([x] * _SPLIT + [W, b2]))


def _bcast_max(v):
    return plsc.cummax(lax.rev(plsc.cummax(v), (0,)))


def _sc_gates(rw_flat, n_tokens):
    rows_per_w = n_tokens // _NW
    chunk = rows_per_w * _N_EXP
    mesh = plsc.VectorSubcoreMesh(core_axis_name="c", subcore_axis_name="s")

    @functools.partial(
        pl.kernel,
        mesh=mesh,
        out_type=jax.ShapeDtypeStruct((n_tokens * _N_EXP,), jnp.float32),
        scratch_types=[
            pltpu.VMEM((chunk,), jnp.float32),
            pltpu.VMEM((chunk,), jnp.float32),
        ],
        compiler_params=pltpu.CompilerParams(needs_layout_passes=False),
    )
    def _router(rw_hbm, gates_hbm, buf_in, buf_out):
        wid = lax.axis_index("s") * _NC + lax.axis_index("c")
        base = wid * chunk
        pltpu.sync_copy(rw_hbm.at[pl.ds(base, chunk)], buf_in)

        lane = lax.iota(jnp.int32, _L)
        mask8 = lane < _K
        zero = jnp.zeros((_L,), jnp.float32)
        neg_inf = jnp.float32(-jnp.inf)

        def _sortd(v):
            return plsc.sort_key_val(v, v, descending=True)[0]

        def _merge(p, q):
            return _sortd(jnp.where(mask8, p, lax.rev(q, (0,))))

        @plsc.parallel_loop(0, rows_per_w, unroll=2)
        def row_body(r):
            off = r * _N_EXP
            v = [buf_in[pl.ds(off + j * _L, _L)] for j in range(4)]
            s0, s1, s2, s3 = (_sortd(vj) for vj in v)
            m3 = _merge(_merge(s0, s1), _merge(s2, s3))

            v0b = plsc.cummax(m3)
            t = jnp.where(mask8, -m3, neg_inf)
            v8b = -_bcast_max(t)

            e = jnp.where(mask8, jnp.exp(m3 - v0b), zero)
            s_e = plsc.cumsum(e)
            zb = plsc.cummax(lax.rev(s_e, (0,)))

            gt = [vj > v8b for vj in v]
            pc = [plsc.all_reduce_population_count(g) for g in gt]
            n_gt = pc[0] + pc[1] + pc[2] + pc[3]
            c = jnp.full((_L,), _K, jnp.int32) - n_gt

            eq = [vj == v8b for vj in v]
            pe = [plsc.all_reduce_population_count(q) for q in eq]
            prev = jnp.zeros((_L,), jnp.int32)
            for j in range(4):
                cs = plsc.cumsum(eq[j].astype(jnp.int32))
                keep = gt[j] | (eq[j] & ((prev + cs) <= c))
                out_j = jnp.where(keep, jnp.exp(v[j] - v0b) / zb, zero)
                buf_out[pl.ds(off + j * _L, _L)] = out_j
                prev = prev + pe[j]

        pltpu.sync_copy(buf_out, gates_hbm.at[pl.ds(base, chunk)])

    return _router(rw_flat)


def kernel(x, W, b):
    n_tokens = x.shape[0]
    rw = _tc_routing_weights(x, W, b, 0, n_tokens)
    gates_flat = _sc_gates(rw.reshape(-1), n_tokens)
    return (gates_flat.reshape(n_tokens, _N_EXP), rw)

# --- scband reference (transcript-rebuilt; emitter-appended) ---
"""Pipeline reference for scband-top-kgate-16174846837311 (READ-ONLY COPY).

The authoritative reference and input builder live on the scoring server;
editing this copy changes nothing except your own understanding.
"""

import jax, jax.numpy as jnp
import numpy as np

D_MODEL = 4096
NUM_EXPERTS = 64
TOP_K = 8
N_TOKENS = 16384


def setup_inputs(seed: int = 0) -> dict:
    key = jax.random.key(seed)
    k1, k2, k3 = jax.random.split(key, 3)
    x = jax.random.normal(k1, (N_TOKENS, D_MODEL), dtype=jnp.float32)
    # nn.Linear(d_model, num_experts): weight [num_experts, d_model], bias [num_experts]
    bound = 1.0 / np.sqrt(D_MODEL)
    W = jax.random.uniform(k2, (NUM_EXPERTS, D_MODEL), dtype=jnp.float32, minval=-bound, maxval=bound)
    b = jax.random.uniform(k3, (NUM_EXPERTS,), dtype=jnp.float32, minval=-bound, maxval=bound)
    return {"x": x, "W": W, "b": b}


def reference(x, W, b):
    # routing_weights = self.gate(x)
    routing_weights = x @ W.T + b
    # top_k over experts
    top_k_weights, top_k_indices = jax.lax.top_k(routing_weights, TOP_K)
    soft = jax.nn.softmax(top_k_weights, axis=-1)
    # gates = zeros.scatter_(-1, top_k_indices, softmax(top_k_weights))
    rows = jnp.arange(routing_weights.shape[0])[:, None]
    gates = jnp.zeros_like(routing_weights).at[rows, top_k_indices].set(soft)
    return (gates, routing_weights)

if __name__ == "__main__":
    import jax
    _d = setup_inputs()
    print(jax.jit(kernel)(*tuple(_d.values())))

</pallas_src>

<mosaic_0001>
#map = affine_map<(d0, d1) -> (0)>
module attributes {stable_mosaic.version = 14 : i64} {
  func.func @_router(%arg0: i32, %arg1: i32, %arg2: memref<1048576xf32, #tpu.memory_space<hbm>>, %arg3: memref<1048576xf32, #tpu.memory_space<hbm>>, %arg4: memref<32768xf32, #tpu.memory_space<vmem>>, %arg5: memref<32768xf32, #tpu.memory_space<vmem>>) attributes {dimension_semantics = [#tpu.dimension_semantics<core_parallel>, #tpu.dimension_semantics<subcore_parallel>], iteration_bounds = array<i64: 2, 16>, scalar_prefetch = 0 : i64, scratch_operands = 2 : i64, tpu.core_type = #tpu.core_type<sc_vector_subcore>, window_params = [{transform_indices = #map}, {transform_indices = #map}]} {
    %mul3A = arith.constant 2 : i32
    %mul3A_0 = arith.muli %arg1, %mul3A : i32
    %add3A = arith.addi %mul3A_0, %arg0 : i32
    %mul3A_1 = arith.constant 32768 : i32
    %mul3A_2 = arith.muli %add3A, %mul3A_1 : i32
    "tpu.region"() ({
      %run_scoped3A = tpu.sem_alloc : memref<!tpu.dma_semaphore, #tpu.memory_space<semaphore_mem>>
      %dma_start3A = tpu.memref_slice %arg2[%mul3A_2] : memref<1048576xf32, #tpu.memory_space<hbm>> -> memref<32768xf32, #tpu.memory_space<hbm>>
      %dma_start3A_9 = tpu.memref_slice %arg2[%mul3A_2] : memref<1048576xf32, #tpu.memory_space<hbm>> -> memref<32768xf32, #tpu.memory_space<hbm>>
      tpu.enqueue_dma source(%dma_start3A_9 : memref<32768xf32, #tpu.memory_space<hbm>>) target(%arg4 : memref<32768xf32, #tpu.memory_space<vmem>>) target_semaphore(%run_scoped3A : memref<!tpu.dma_semaphore, #tpu.memory_space<semaphore_mem>>)
      %dma_wait3A = tpu.memref_slice %arg2[%mul3A_2] : memref<1048576xf32, #tpu.memory_space<hbm>> -> memref<32768xf32, #tpu.memory_space<hbm>>
      %dma_wait3A_10 = tpu.memref_slice %arg2[%mul3A_2] : memref<1048576xf32, #tpu.memory_space<hbm>> -> memref<32768xf32, #tpu.memory_space<hbm>>
      tpu.wait_dma2 semaphore(%run_scoped3A : memref<!tpu.dma_semaphore, #tpu.memory_space<semaphore_mem>>) src(%dma_wait3A_10 : memref<32768xf32, #tpu.memory_space<hbm>>) dst(%arg4 : memref<32768xf32, #tpu.memory_space<vmem>>)
      tpu.yield
    }) : () -> ()
    %iota3A = tpu.iota {dimensions = array<i32: 0>} : vector<16xi32>
    %lt3A = arith.constant 8 : i32
    %lt3A_3 = vector.broadcast %lt3A : i32 to vector<16xi32>
    %lt3A_4 = arith.cmpi slt, %iota3A, %lt3A_3 : vector<16xi32>
    %broadcast_in_dim3A = arith.constant 0.000000e+00 : f32
    %broadcast_in_dim3A_5 = vector.broadcast %broadcast_in_dim3A : f32 to vector<16xf32>
    %parallel_loop3A = arith.constant 0 : i32
    %parallel_loop3A_6 = arith.constant 512 : i32
    %parallel_loop3A_7 = arith.constant 1 : i32
    %parallel_loop3A_8 = arith.constant 0xFF800000 : f32
    scf.for %parallel_loop3A_9 = %parallel_loop3A to %parallel_loop3A_6 step %parallel_loop3A_7  : i32 {
      %parallel_loop3A_10 = arith.constant 64 : i32
      %parallel_loop3A_11 = arith.muli %parallel_loop3A_9, %parallel_loop3A_10 : i32
      %parallel_loop3A_12 = arith.constant 0 : i32
      %parallel_loop3A_13 = arith.addi %parallel_loop3A_11, %parallel_loop3A_12 : i32
      %parallel_loop3A_14 = arith.index_cast %parallel_loop3A_13 : i32 to index
      %parallel_loop3A_15 = tpu.vector_load %arg4[%parallel_loop3A_14] {strides = array<i32>} : memref<32768xf32, #tpu.memory_space<vmem>>, vector<16xf32>,
      %parallel_loop3A_16 = arith.constant 16 : i32
      %parallel_loop3A_17 = arith.addi %parallel_loop3A_11, %parallel_loop3A_16 : i32
      %parallel_loop3A_18 = arith.index_cast %parallel_loop3A_17 : i32 to index
      %parallel_loop3A_19 = tpu.vector_load %arg4[%parallel_loop3A_18] {strides = array<i32>} : memref<32768xf32, #tpu.memory_space<vmem>>, vector<16xf32>,
      %parallel_loop3A_20 = arith.constant 32 : i32
      %parallel_loop3A_21 = arith.addi %parallel_loop3A_11, %parallel_loop3A_20 : i32
      %parallel_loop3A_22 = arith.index_cast %parallel_loop3A_21 : i32 to index
      %parallel_loop3A_23 = tpu.vector_load %arg4[%parallel_loop3A_22] {strides = array<i32>} : memref<32768xf32, #tpu.memory_space<vmem>>, vector<16xf32>,
      %parallel_loop3A_24 = arith.constant 48 : i32
      %parallel_loop3A_25 = arith.addi %parallel_loop3A_11, %parallel_loop3A_24 : i32
      %parallel_loop3A_26 = arith.index_cast %parallel_loop3A_25 : i32 to index
      %parallel_loop3A_27 = tpu.vector_load %arg4[%parallel_loop3A_26] {strides = array<i32>} : memref<32768xf32, #tpu.memory_space<vmem>>, vector<16xf32>,
      %parallel_loop3A_28 = arith.constant dense<true> : vector<16xi1>
      %parallel_loop3A_29, %parallel_loop3A_30, %parallel_loop3A_31 = tpu.sort %parallel_loop3A_15, %parallel_loop3A_15 masked %parallel_loop3A_28 {descending = true} : (vector<16xf32>, vector<16xf32>, vector<16xi1>) -> (vector<16xi1>, vector<16xf32>, vector<16xf32>)
      %parallel_loop3A_32 = arith.constant dense<true> : vector<16xi1>
      %parallel_loop3A_33, %parallel_loop3A_34, %parallel_loop3A_35 = tpu.sort %parallel_loop3A_19, %parallel_loop3A_19 masked %parallel_loop3A_32 {descending = true} : (vector<16xf32>, vector<16xf32>, vector<16xi1>) -> (vector<16xi1>, vector<16xf32>, vector<16xf32>)
      %parallel_loop3A_36 = arith.constant dense<true> : vector<16xi1>
      %parallel_loop3A_37, %parallel_loop3A_38, %parallel_loop3A_39 = tpu.sort %parallel_loop3A_23, %parallel_loop3A_23 masked %parallel_loop3A_36 {descending = true} : (vector<16xf32>, vector<16xf32>, vector<16xi1>) -> (vector<16xi1>, vector<16xf32>, vector<16xf32>)
      %parallel_loop3A_40 = arith.constant dense<true> : vector<16xi1>
      %parallel_loop3A_41, %parallel_loop3A_42, %parallel_loop3A_43 = tpu.sort %parallel_loop3A_27, %parallel_loop3A_27 masked %parallel_loop3A_40 {descending = true} : (vector<16xf32>, vector<16xf32>, vector<16xi1>) -> (vector<16xi1>, vector<16xf32>, vector<16xf32>)
      %parallel_loop3A_44 = arith.constant 15 : i32
      %parallel_loop3A_45 = vector.broadcast %parallel_loop3A_44 : i32 to vector<16xi32>
      %parallel_loop3A_46 = tpu.iota {dimensions = array<i32: 0>} : vector<16xi32>
      %parallel_loop3A_47 = arith.subi %parallel_loop3A_45, %parallel_loop3A_46 : vector<16xi32>
      %parallel_loop3A_48 = tpu.dynamic_gather %parallel_loop3A_34[%parallel_loop3A_47] in [0] : vector<16xf32>, vector<16xi32> -> vector<16xf32>
      %parallel_loop3A_49 = arith.select %lt3A_4, %parallel_loop3A_30, %parallel_loop3A_48 : vector<16xi1>, vector<16xf32>
      %parallel_loop3A_50 = arith.constant dense<true> : vector<16xi1>
      %parallel_loop3A_51, %parallel_loop3A_52, %parallel_loop3A_53 = tpu.sort %parallel_loop3A_49, %parallel_loop3A_49 masked %parallel_loop3A_50 {descending = true} : (vector<16xf32>, vector<16xf32>, vector<16xi1>) -> (vector<16xi1>, vector<16xf32>, vector<16xf32>)
      %parallel_loop3A_54 = arith.constant 15 : i32
      %parallel_loop3A_55 = vector.broadcast %parallel_loop3A_54 : i32 to vector<16xi32>
      %parallel_loop3A_56 = tpu.iota {dimensions = array<i32: 0>} : vector<16xi32>
      %parallel_loop3A_57 = arith.subi %parallel_loop3A_55, %parallel_loop3A_56 : vector<16xi32>
      %parallel_loop3A_58 = tpu.dynamic_gather %parallel_loop3A_42[%parallel_loop3A_57] in [0] : vector<16xf32>, vector<16xi32> -> vector<16xf32>
      %parallel_loop3A_59 = arith.select %lt3A_4, %parallel_loop3A_38, %parallel_loop3A_58 : vector<16xi1>, vector<16xf32>
      %parallel_loop3A_60 = arith.constant dense<true> : vector<16xi1>
      %parallel_loop3A_61, %parallel_loop3A_62, %parallel_loop3A_63 = tpu.sort %parallel_loop3A_59, %parallel_loop3A_59 masked %parallel_loop3A_60 {descending = true} : (vector<16xf32>, vector<16xf32>, vector<16xi1>) -> (vector<16xi1>, vector<16xf32>, vector<16xf32>)
      %parallel_loop3A_64 = arith.constant 15 : i32
      %parallel_loop3A_65 = vector.broadcast %parallel_loop3A_64 : i32 to vector<16xi32>
      %parallel_loop3A_66 = tpu.iota {dimensions = array<i32: 0>} : vector<16xi32>
      %parallel_loop3A_67 = arith.subi %parallel_loop3A_65, %parallel_loop3A_66 : vector<16xi32>
      %parallel_loop3A_68 = tpu.dynamic_gather %parallel_loop3A_62[%parallel_loop3A_67] in [0] : vector<16xf32>, vector<16xi32> -> vector<16xf32>
      %parallel_loop3A_69 = arith.select %lt3A_4, %parallel_loop3A_52, %parallel_loop3A_68 : vector<16xi1>, vector<16xf32>
      %parallel_loop3A_70 = arith.constant dense<true> : vector<16xi1>
      %parallel_loop3A_71, %parallel_loop3A_72, %parallel_loop3A_73 = tpu.sort %parallel_loop3A_69, %parallel_loop3A_69 masked %parallel_loop3A_70 {descending = true} : (vector<16xf32>, vector<16xf32>, vector<16xi1>) -> (vector<16xi1>, vector<16xf32>, vector<16xf32>)
      %parallel_loop3A_74 = arith.constant true
      %parallel_loop3A_75 = vector.broadcast %parallel_loop3A_74 : i1 to vector<16xi1>
      %parallel_loop3A_76 = tpu.scan <max>, %parallel_loop3A_72 masked %parallel_loop3A_75 : vector<16xf32>, vector<16xi1> -> vector<16xf32>
      %parallel_loop3A_77 = arith.constant 0.000000e+00 : f32
      %parallel_loop3A_78 = vector.broadcast %parallel_loop3A_77 : f32 to vector<16xf32>
      %parallel_loop3A_79 = arith.subf %parallel_loop3A_78, %parallel_loop3A_72 : vector<16xf32>
      %parallel_loop3A_80 = vector.broadcast %parallel_loop3A_8 : f32 to vector<16xf32>
      %parallel_loop3A_81 = arith.select %lt3A_4, %parallel_loop3A_79, %parallel_loop3A_80 : vector<16xi1>, vector<16xf32>
      %parallel_loop3A_82 = arith.constant true
      %parallel_loop3A_83 = vector.broadcast %parallel_loop3A_82 : i1 to vector<16xi1>
      %parallel_loop3A_84 = tpu.scan <max>, %parallel_loop3A_81 masked %parallel_loop3A_83 : vector<16xf32>, vector<16xi1> -> vector<16xf32>
      %parallel_loop3A_85 = arith.constant 15 : i32
      %parallel_loop3A_86 = vector.broadcast %parallel_loop3A_85 : i32 to vector<16xi32>
      %parallel_loop3A_87 = tpu.iota {dimensions = array<i32: 0>} : vector<16xi32>
      %parallel_loop3A_88 = arith.subi %parallel_loop3A_86, %parallel_loop3A_87 : vector<16xi32>
      %parallel_loop3A_89 = tpu.dynamic_gather %parallel_loop3A_84[%parallel_loop3A_88] in [0] : vector<16xf32>, vector<16xi32> -> vector<16xf32>
      %parallel_loop3A_90 = arith.constant true
      %parallel_loop3A_91 = vector.broadcast %parallel_loop3A_90 : i1 to vector<16xi1>
      %parallel_loop3A_92 = tpu.scan <max>, %parallel_loop3A_89 masked %parallel_loop3A_91 : vector<16xf32>, vector<16xi1> -> vector<16xf32>
      %parallel_loop3A_93 = arith.constant 0.000000e+00 : f32
      %parallel_loop3A_94 = vector.broadcast %parallel_loop3A_93 : f32 to vector<16xf32>
      %parallel_loop3A_95 = arith.subf %parallel_loop3A_94, %parallel_loop3A_92 : vector<16xf32>
      %parallel_loop3A_96 = arith.subf %parallel_loop3A_72, %parallel_loop3A_76 : vector<16xf32>
      %parallel_loop3A_97 = math.exp %parallel_loop3A_96 : vector<16xf32>
      %parallel_loop3A_98 = arith.select %lt3A_4, %parallel_loop3A_97, %broadcast_in_dim3A_5 : vector<16xi1>, vector<16xf32>
      %parallel_loop3A_99 = arith.constant true
      %parallel_loop3A_100 = vector.broadcast %parallel_loop3A_99 : i1 to vector<16xi1>
      %parallel_loop3A_101 = tpu.scan <sum>, %parallel_loop3A_98 masked %parallel_loop3A_100 : vector<16xf32>, vector<16xi1> -> vector<16xf32>
      %parallel_loop3A_102 = arith.constant 15 : i32
      %parallel_loop3A_103 = vector.broadcast %parallel_loop3A_102 : i32 to vector<16xi32>
      %parallel_loop3A_104 = tpu.iota {dimensions = array<i32: 0>} : vector<16xi32>
      %parallel_loop3A_105 = arith.subi %parallel_loop3A_103, %parallel_loop3A_104 : vector<16xi32>
      %parallel_loop3A_106 = tpu.dynamic_gather %parallel_loop3A_101[%parallel_loop3A_105] in [0] : vector<16xf32>, vector<16xi32> -> vector<16xf32>
      %parallel_loop3A_107 = arith.constant true
      %parallel_loop3A_108 = vector.broadcast %parallel_loop3A_107 : i1 to vector<16xi1>
      %parallel_loop3A_109 = tpu.scan <max>, %parallel_loop3A_106 masked %parallel_loop3A_108 : vector<16xf32>, vector<16xi1> -> vector<16xf32>
      %parallel_loop3A_110 = arith.cmpf ogt, %parallel_loop3A_15, %parallel_loop3A_95 : vector<16xf32>
      %parallel_loop3A_111 = arith.cmpf ogt, %parallel_loop3A_19, %parallel_loop3A_95 : vector<16xf32>
      %parallel_loop3A_112 = arith.cmpf ogt, %parallel_loop3A_23, %parallel_loop3A_95 : vector<16xf32>
      %parallel_loop3A_113 = arith.cmpf ogt, %parallel_loop3A_27, %parallel_loop3A_95 : vector<16xf32>
      %parallel_loop3A_114 = tpu.all_reduce %parallel_loop3A_110 {dim = 0 : i64, kind = #tpu.reduction_kind<sum>} : vector<16xi1> -> vector<16xi32>
      %parallel_loop3A_115 = tpu.all_reduce %parallel_loop3A_111 {dim = 0 : i64, kind = #tpu.reduction_kind<sum>} : vector<16xi1> -> vector<16xi32>
      %parallel_loop3A_116 = tpu.all_reduce %parallel_loop3A_112 {dim = 0 : i64, kind = #tpu.reduction_kind<sum>} : vector<16xi1> -> vector<16xi32>
      %parallel_loop3A_117 = tpu.all_reduce %parallel_loop3A_113 {dim = 0 : i64, kind = #tpu.reduction_kind<sum>} : vector<16xi1> -> vector<16xi32>
      %parallel_loop3A_118 = arith.addi %parallel_loop3A_114, %parallel_loop3A_115 : vector<16xi32>
      %parallel_loop3A_119 = arith.addi %parallel_loop3A_118, %parallel_loop3A_116 : vector<16xi32>
      %parallel_loop3A_120 = arith.addi %parallel_loop3A_119, %parallel_loop3A_117 : vector<16xi32>
      %parallel_loop3A_121 = arith.constant 8 : i32
      %parallel_loop3A_122 = vector.broadcast %parallel_loop3A_121 : i32 to vector<16xi32>
      %parallel_loop3A_123 = arith.subi %parallel_loop3A_122, %parallel_loop3A_120 : vector<16xi32>
      %parallel_loop3A_124 = arith.cmpf oeq, %parallel_loop3A_15, %parallel_loop3A_95 : vector<16xf32>
      %parallel_loop3A_125 = arith.cmpf oeq, %parallel_loop3A_19, %parallel_loop3A_95 : vector<16xf32>
      %parallel_loop3A_126 = arith.cmpf oeq, %parallel_loop3A_23, %parallel_loop3A_95 : vector<16xf32>
      %parallel_loop3A_127 = arith.cmpf oeq, %parallel_loop3A_27, %parallel_loop3A_95 : vector<16xf32>
      %parallel_loop3A_128 = tpu.all_reduce %parallel_loop3A_124 {dim = 0 : i64, kind = #tpu.reduction_kind<sum>} : vector<16xi1> -> vector<16xi32>
      %parallel_loop3A_129 = tpu.all_reduce %parallel_loop3A_125 {dim = 0 : i64, kind = #tpu.reduction_kind<sum>} : vector<16xi1> -> vector<16xi32>
      %parallel_loop3A_130 = tpu.all_reduce %parallel_loop3A_126 {dim = 0 : i64, kind = #tpu.reduction_kind<sum>} : vector<16xi1> -> vector<16xi32>
      %parallel_loop3A_131 = tpu.all_reduce %parallel_loop3A_127 {dim = 0 : i64, kind = #tpu.reduction_kind<sum>} : vector<16xi1> -> vector<16xi32>
      %parallel_loop3A_132 = arith.constant 0 : i32
      %parallel_loop3A_133 = vector.broadcast %parallel_loop3A_132 : i32 to vector<16xi32>
      %parallel_loop3A_134 = arith.extui %parallel_loop3A_124 : vector<16xi1> to vector<16xi32>
      %parallel_loop3A_135 = arith.constant true
      %parallel_loop3A_136 = vector.broadcast %parallel_loop3A_135 : i1 to vector<16xi1>
      %parallel_loop3A_137 = tpu.scan <sum>, %parallel_loop3A_134 masked %parallel_loop3A_136 : vector<16xi32>, vector<16xi1> -> vector<16xi32>
      %parallel_loop3A_138 = arith.addi %parallel_loop3A_133, %parallel_loop3A_137 : vector<16xi32>
      %parallel_loop3A_139 = arith.cmpi sle, %parallel_loop3A_138, %parallel_loop3A_123 : vector<16xi32>
      %parallel_loop3A_140 = arith.andi %parallel_loop3A_124, %parallel_loop3A_139 : vector<16xi1>
      %parallel_loop3A_141 = arith.ori %parallel_loop3A_110, %parallel_loop3A_140 : vector<16xi1>
      %parallel_loop3A_142 = arith.subf %parallel_loop3A_15, %parallel_loop3A_76 : vector<16xf32>
      %parallel_loop3A_143 = math.exp %parallel_loop3A_142 : vector<16xf32>
      %parallel_loop3A_144 = arith.divf %parallel_loop3A_143, %parallel_loop3A_109 : vector<16xf32>
      %parallel_loop3A_145 = arith.select %parallel_loop3A_141, %parallel_loop3A_144, %broadcast_in_dim3A_5 : vector<16xi1>, vector<16xf32>
      %parallel_loop3A_146 = arith.constant 0 : i32
      %parallel_loop3A_147 = arith.addi %parallel_loop3A_11, %parallel_loop3A_146 : i32
      %parallel_loop3A_148 = arith.index_cast %parallel_loop3A_147 : i32 to index
      %parallel_loop3A_149 = tpu.vector_load %arg5[%parallel_loop3A_148] {strides = array<i32>} : memref<32768xf32, #tpu.memory_space<vmem>>, vector<16xf32>,
      tpu.vector_store %arg5[%parallel_loop3A_148], %parallel_loop3A_145 {strides = array<i32>} : memref<32768xf32, #tpu.memory_space<vmem>>, vector<16xf32>,
      %parallel_loop3A_150 = arith.addi %parallel_loop3A_133, %parallel_loop3A_128 : vector<16xi32>
      %parallel_loop3A_151 = arith.extui %parallel_loop3A_125 : vector<16xi1> to vector<16xi32>
      %parallel_loop3A_152 = arith.constant true
      %parallel_loop3A_153 = vector.broadcast %parallel_loop3A_152 : i1 to vector<16xi1>
      %parallel_loop3A_154 = tpu.scan <sum>, %parallel_loop3A_151 masked %parallel_loop3A_153 : vector<16xi32>, vector<16xi1> -> vector<16xi32>
      %parallel_loop3A_155 = arith.addi %parallel_loop3A_150, %parallel_loop3A_154 : vector<16xi32>
      %parallel_loop3A_156 = arith.cmpi sle, %parallel_loop3A_155, %parallel_loop3A_123 : vector<16xi32>
      %parallel_loop3A_157 = arith.andi %parallel_loop3A_125, %parallel_loop3A_156 : vector<16xi1>
      %parallel_loop3A_158 = arith.ori %parallel_loop3A_111, %parallel_loop3A_157 : vector<16xi1>
      %parallel_loop3A_159 = arith.subf %parallel_loop3A_19, %parallel_loop3A_76 : vector<16xf32>
      %parallel_loop3A_160 = math.exp %parallel_loop3A_159 : vector<16xf32>
      %parallel_loop3A_161 = arith.divf %parallel_loop3A_160, %parallel_loop3A_109 : vector<16xf32>
      %parallel_loop3A_162 = arith.select %parallel_loop3A_158, %parallel_loop3A_161, %broadcast_in_dim3A_5 : vector<16xi1>, vector<16xf32>
      %parallel_loop3A_163 = arith.constant 16 : i32
      %parallel_loop3A_164 = arith.addi %parallel_loop3A_11, %parallel_loop3A_163 : i32
      %parallel_loop3A_165 = arith.index_cast %parallel_loop3A_164 : i32 to index
      %parallel_loop3A_166 = tpu.vector_load %arg5[%parallel_loop3A_165] {strides = array<i32>} : memref<32768xf32, #tpu.memory_space<vmem>>, vector<16xf32>,
      tpu.vector_store %arg5[%parallel_loop3A_165], %parallel_loop3A_162 {strides = array<i32>} : memref<32768xf32, #tpu.memory_space<vmem>>, vector<16xf32>,
      %parallel_loop3A_167 = arith.addi %parallel_loop3A_150, %parallel_loop3A_129 : vector<16xi32>
      %parallel_loop3A_168 = arith.extui %parallel_loop3A_126 : vector<16xi1> to vector<16xi32>
      %parallel_loop3A_169 = arith.constant true
      %parallel_loop3A_170 = vector.broadcast %parallel_loop3A_169 : i1 to vector<16xi1>
      %parallel_loop3A_171 = tpu.scan <sum>, %parallel_loop3A_168 masked %parallel_loop3A_170 : vector<16xi32>, vector<16xi1> -> vector<16xi32>
      %parallel_loop3A_172 = arith.addi %parallel_loop3A_167, %parallel_loop3A_171 : vector<16xi32>
      %parallel_loop3A_173 = arith.cmpi sle, %parallel_loop3A_172, %parallel_loop3A_123 : vector<16xi32>
      %parallel_loop3A_174 = arith.andi %parallel_loop3A_126, %parallel_loop3A_173 : vector<16xi1>
      %parallel_loop3A_175 = arith.ori %parallel_loop3A_112, %parallel_loop3A_174 : vector<16xi1>
      %parallel_loop3A_176 = arith.subf %parallel_loop3A_23, %parallel_loop3A_76 : vector<16xf32>
      %parallel_loop3A_177 = math.exp %parallel_loop3A_176 : vector<16xf32>
      %parallel_loop3A_178 = arith.divf %parallel_loop3A_177, %parallel_loop3A_109 : vector<16xf32>
      %parallel_loop3A_179 = arith.select %parallel_loop3A_175, %parallel_loop3A_178, %broadcast_in_dim3A_5 : vector<16xi1>, vector<16xf32>
      %parallel_loop3A_180 = arith.constant 32 : i32
      %parallel_loop3A_181 = arith.addi %parallel_loop3A_11, %parallel_loop3A_180 : i32
      %parallel_loop3A_182 = arith.index_cast %parallel_loop3A_181 : i32 to index
      %parallel_loop3A_183 = tpu.vector_load %arg5[%parallel_loop3A_182] {strides = array<i32>} : memref<32768xf32, #tpu.memory_space<vmem>>, vector<16xf32>,
      tpu.vector_store %arg5[%parallel_loop3A_182], %parallel_loop3A_179 {strides = array<i32>} : memref<32768xf32, #tpu.memory_space<vmem>>, vector<16xf32>,
      %parallel_loop3A_184 = arith.addi %parallel_loop3A_167, %parallel_loop3A_130 : vector<16xi32>
      %parallel_loop3A_185 = arith.extui %parallel_loop3A_127 : vector<16xi1> to vector<16xi32>
      %parallel_loop3A_186 = arith.constant true
      %parallel_loop3A_187 = vector.broadcast %parallel_loop3A_186 : i1 to vector<16xi1>
      %parallel_loop3A_188 = tpu.scan <sum>, %parallel_loop3A_185 masked %parallel_loop3A_187 : vector<16xi32>, vector<16xi1> -> vector<16xi32>
      %parallel_loop3A_189 = arith.addi %parallel_loop3A_184, %parallel_loop3A_188 : vector<16xi32>
      %parallel_loop3A_190 = arith.cmpi sle, %parallel_loop3A_189, %parallel_loop3A_123 : vector<16xi32>
      %parallel_loop3A_191 = arith.andi %parallel_loop3A_127, %parallel_loop3A_190 : vector<16xi1>
      %parallel_loop3A_192 = arith.ori %parallel_loop3A_113, %parallel_loop3A_191 : vector<16xi1>
      %parallel_loop3A_193 = arith.subf %parallel_loop3A_27, %parallel_loop3A_76 : vector<16xf32>
      %parallel_loop3A_194 = math.exp %parallel_loop3A_193 : vector<16xf32>
      %parallel_loop3A_195 = arith.divf %parallel_loop3A_194, %parallel_loop3A_109 : vector<16xf32>
      %parallel_loop3A_196 = arith.select %parallel_loop3A_192, %parallel_loop3A_195, %broadcast_in_dim3A_5 : vector<16xi1>, vector<16xf32>
      %parallel_loop3A_197 = arith.constant 48 : i32
      %parallel_loop3A_198 = arith.addi %parallel_loop3A_11, %parallel_loop3A_197 : i32
      %parallel_loop3A_199 = arith.index_cast %parallel_loop3A_198 : i32 to index
      %parallel_loop3A_200 = tpu.vector_load %arg5[%parallel_loop3A_199] {strides = array<i32>} : memref<32768xf32, #tpu.memory_space<vmem>>, vector<16xf32>,
      tpu.vector_store %arg5[%parallel_loop3A_199], %parallel_loop3A_196 {strides = array<i32>} : memref<32768xf32, #tpu.memory_space<vmem>>, vector<16xf32>,
      %parallel_loop3A_201 = arith.addi %parallel_loop3A_184, %parallel_loop3A_131 : vector<16xi32>
    } {sc.loop_unroll_factor = 2 : i64, sc.parallel_access}
    "tpu.region"() ({
      %run_scoped3A = tpu.sem_alloc : memref<!tpu.dma_semaphore, #tpu.memory_space<semaphore_mem>>
      %dma_start3A = tpu.memref_slice %arg3[%mul3A_2] : memref<1048576xf32, #tpu.memory_space<hbm>> -> memref<32768xf32, #tpu.memory_space<hbm>>
      %dma_start3A_9 = tpu.memref_slice %arg3[%mul3A_2] : memref<1048576xf32, #tpu.memory_space<hbm>> -> memref<32768xf32, #tpu.memory_space<hbm>>
      tpu.enqueue_dma source(%arg5 : memref<32768xf32, #tpu.memory_space<vmem>>) target(%dma_start3A_9 : memref<32768xf32, #tpu.memory_space<hbm>>) target_semaphore(%run_scoped3A : memref<!tpu.dma_semaphore, #tpu.memory_space<semaphore_mem>>)
      %dma_wait3A = tpu.memref_slice %arg3[%mul3A_2] : memref<1048576xf32, #tpu.memory_space<hbm>> -> memref<32768xf32, #tpu.memory_space<hbm>>
      %dma_wait3A_10 = tpu.memref_slice %arg3[%mul3A_2] : memref<1048576xf32, #tpu.memory_space<hbm>> -> memref<32768xf32, #tpu.memory_space<hbm>>
      tpu.wait_dma2 semaphore(%run_scoped3A : memref<!tpu.dma_semaphore, #tpu.memory_space<semaphore_mem>>) src(%arg5 : memref<32768xf32, #tpu.memory_space<vmem>>) dst(%dma_wait3A_10 : memref<32768xf32, #tpu.memory_space<hbm>>)
      tpu.yield
    }) : () -> ()
    return
  }
}

module attributes {stable_mosaic.version = 14 : i64} {
  func.func @_matmul_kernel(%arg0: i32, %arg1: memref<512x4096xf32, #tpu.memory_space<vmem>>, %arg2: memref<512x4096xf32, #tpu.memory_space<vmem>>, %arg3: memref<64x4096xf32, #tpu.memory_space<vmem>>, %arg4: memref<1x64xf32, #tpu.memory_space<vmem>>, %arg5: memref<1024x64xf32, #tpu.memory_space<vmem>>) attributes {dimension_semantics = [#tpu.dimension_semantics<parallel>], iteration_bounds = array<i64: 16>, scalar_prefetch = 0 : i64, scratch_operands = 0 : i64, tpu.core_type = #tpu.core_type<tc>, window_params = [{transform_indices = @transform_0, window_bounds = array<i64: 512, 4096>}, {transform_indices = @transform_1, window_bounds = array<i64: 512, 4096>}, {pipeline_mode = #tpu.pipeline_mode<synchronous>, transform_indices = @transform_2, window_bounds = array<i64: 64, 4096>}, {pipeline_mode = #tpu.pipeline_mode<synchronous>, transform_indices = @transform_3, window_bounds = array<i64: 1, 64>}, {transform_indices = @transform_4, window_bounds = array<i64: 1024, 64>}]} {
    %get3A = arith.constant 0 : index
    %get3A_0 = arith.constant 0 : index
    %get3A_1 = vector.load %arg3[%get3A, %get3A_0] : memref<64x4096xf32, #tpu.memory_space<vmem>>, vector<64x4096xf32>
    %get3A_2 = arith.constant 0 : index
    %get3A_3 = arith.constant 0 : index
    %get3A_4 = vector.load %arg4[%get3A_2, %get3A_3] : memref<1x64xf32, #tpu.memory_space<vmem>>, vector<1x64xf32>
    %get3A_5 = arith.constant 0 : index
    %get3A_6 = arith.constant 0 : index
    %get3A_7 = vector.load %arg1[%get3A_5, %get3A_6] : memref<512x4096xf32, #tpu.memory_space<vmem>>, vector<512x4096xf32>
    %dot_general3A = arith.constant dense<0.000000e+00> : vector<512x64xf32>
    %dot_general3A_8 = tpu.matmul %get3A_7, %get3A_1, %dot_general3A {dimension_numbers = #tpu.dot_dimension_numbers<[1], [1], [0], [0], [0, 0, 1, 0], [], []>, transpose_lhs_hint = false} : vector<512x4096xf32>, vector<64x4096xf32>, vector<512x64xf32> -> vector<512x64xf32>
    %add3A = vector.broadcast %get3A_4 : vector<1x64xf32> to vector<512x64xf32>
    %add3A_9 = arith.addf %dot_general3A_8, %add3A : vector<512x64xf32>
    %swap3A = arith.constant 0 : index
    %swap3A_10 = arith.constant 0 : index
    %swap3A_11 = vector.load %arg5[%swap3A, %swap3A_10] : memref<1024x64xf32, #tpu.memory_space<vmem>>, vector<512x64xf32>
    tpu.vector_store %arg5[%swap3A, %swap3A_10], %add3A_9 {strides = array<i32>} : memref<1024x64xf32, #tpu.memory_space<vmem>>, vector<512x64xf32>,
    %get3A_12 = arith.constant 0 : index
    %get3A_13 = arith.constant 0 : index
    %get3A_14 = vector.load %arg2[%get3A_12, %get3A_13] : memref<512x4096xf32, #tpu.memory_space<vmem>>, vector<512x4096xf32>
    %dot_general3A_15 = arith.constant dense<0.000000e+00> : vector<512x64xf32>
    %dot_general3A_16 = tpu.matmul %get3A_14, %get3A_1, %dot_general3A_15 {dimension_numbers = #tpu.dot_dimension_numbers<[1], [1], [0], [0], [0, 0, 1, 0], [], []>, transpose_lhs_hint = false} : vector<512x4096xf32>, vector<64x4096xf32>, vector<512x64xf32> -> vector<512x64xf32>
    %add3A_17 = vector.broadcast %get3A_4 : vector<1x64xf32> to vector<512x64xf32>
    %add3A_18 = arith.addf %dot_general3A_16, %add3A_17 : vector<512x64xf32>
    %swap3A_19 = arith.constant 512 : index
    %swap3A_20 = arith.constant 0 : index
    %swap3A_21 = vector.load %arg5[%swap3A_19, %swap3A_20] : memref<1024x64xf32, #tpu.memory_space<vmem>>, vector<512x64xf32>
    tpu.vector_store %arg5[%swap3A_19, %swap3A_20], %add3A_18 {strides = array<i32>} : memref<1024x64xf32, #tpu.memory_space<vmem>>, vector<512x64xf32>,
    return
  }
  func.func @transform_0(%arg0: i32) -> (i32, i32) {
    %mul3A = arith.constant 2 : i32
    %mul3A_0 = arith.muli %mul3A, %arg0 : i32
    %add3A = arith.constant 0 : i32
    %add3A_1 = arith.addi %add3A, %mul3A_0 : i32
    %add3A_2 = arith.constant 0 : i32
    %add3A_3 = arith.addi %add3A_1, %add3A_2 : i32
    %c0_i32 = arith.constant 0 : i32
    %c0_i32_4 = arith.constant 0 : i32
    return %add3A_3, %c0_i32 : i32, i32
  }
  func.func @transform_1(%arg0: i32) -> (i32, i32) {
    %mul3A = arith.constant 2 : i32
    %mul3A_0 = arith.muli %mul3A, %arg0 : i32
    %add3A = arith.constant 0 : i32
    %add3A_1 = arith.addi %add3A, %mul3A_0 : i32
    %add3A_2 = arith.constant 1 : i32
    %add3A_3 = arith.addi %add3A_1, %add3A_2 : i32
    %c0_i32 = arith.constant 0 : i32
    %c0_i32_4 = arith.constant 0 : i32
    return %add3A_3, %c0_i32 : i32, i32
  }
  func.func @transform_2(%arg0: i32) -> (i32, i32) {
    %c0_i32 = arith.constant 0 : i32
    %c0_i32_0 = arith.constant 0 : i32
    %c0_i32_1 = arith.constant 0 : i32
    return %c0_i32, %c0_i32_0 : i32, i32
  }
  func.func @transform_3(%arg0: i32) -> (i32, i32) {
    %c0_i32 = arith.constant 0 : i32
    %c0_i32_0 = arith.constant 0 : i32
    %c0_i32_1 = arith.constant 0 : i32
    return %c0_i32, %c0_i32_0 : i32, i32
  }
  func.func @transform_4(%arg0: i32) -> (i32, i32) {
    %c0_i32 = arith.constant 0 : i32
    %c0_i32_0 = arith.constant 0 : i32
    return %arg0, %c0_i32 : i32, i32
  }
}

</mosaic_0001>

<sc_bundles>
// kernel: kernel.4.cloned.1.call-start
scs
__scs_entry_jumppad:
0x0: {  	(pc) =	sbr.rel $0x88, $3  }
0x1: {  	(tag) =	ssettag $0x0;
	lr =	simm.s32 $0x1  }
0x2: {  	[smem:$0x3F9E] =	sst lr;
	_ =	strace $0xD0000000  }
0x3: {  	_ = 	snop  }
0x4: {  	_ = 	snop  }
0x5: {  	_ = 	snop  }
0x6: {  	_ = 	snop  }
0x7: {  	_ = 	snop  }
__scs_overlays_trampoline_lowered:
0x8: {  	[smem:$0x3FAD] =	sst s0  }
0x9: {  	[smem:$0x3FAE] =	sst s1  }
0xa: {  	[smem:$0x3FAF] =	sst s2  }
0xb: {  	[smem:$0x3FB0] =	sst s3  }
0xc: {  	[smem:$0x3FB1] =	sst s4  }
0xd: {  	[smem:$0x3FB2] =	sst s5  }
0xe: {  	[smem:$0x3FB3] =	sst s6  }
0xf: {  	[smem:$0x3FB4] =	sst s7  }
0x10: {  	[smem:$0x3FB5] =	sst s8  }
0x11: {  	[smem:$0x3FB6] =	sst s9;
	s0 =	simm.s32 @!p0 $0x0  }
0x12: {  	s1 =	sld [smem:$0x3F9C];
	s0 =	simm.s32 @p0 $0x1  }
0x13: {  	[smem:$0x3FB7] =	sst s0;
	s0 =	simm.s32 @!p1 $0x0  }
0x14: {  	s2 =	sld [smem:$0x3F9B];
	s0 =	simm.s32 @p1 $0x1  }
0x15: {  	[smem:$0x3FB8] =	sst s0;
	s0 =	simm.s32 @!p2 $0x0  }
0x16: {  	s3 =	sld [smem:$0x3FDB];
	s0 =	simm.s32 @p2 $0x1  }
0x17: {  	s4 =	simm.s32 $0x1BF5;
	[smem:$0x3FBA] =	sst s0  }
0x18: {  	s0 =	sld [smem:$0x3F9D];
	_ =	swait.ge [sflag:s4], $0x0  }
0x19: {  	s7 =	sld [smem:$0x3F9E]  }
0x1a: {  	s8 =	sadd.s32 $0xFFFFE003, lr  }
0x1b: {  	s9 =	sadd.s32 $0xFFFFFEF7, lr;
	s5 =	simm.s32 $0xFFFFFFFF;
	p2 =	slt.u32 s8, $0xFFFFF086  }
0x1c: {  	p1 =	slt.u32 s9, $0xF7A;
	s5 =	simm.s32 @!p2 $0x0  }
0x1d: {  	s5 =	simm.s32 @p1 $0x1;
	p0 =	seq.s32 s7, s2  }
0x1e: {  	s7 =	smul.u32 @!p0 $0xF7A, s2;
	p2 =	seq.s32 @!p0 s5, $0x0  }
0x1f: {  	s9 =	smul.u32 $0xF7A, s1;
	s8 =	simm.s32 @!p0 $0x1BF5;
	p2 =	por !p2, p0  }
0x20: {  	[sflag:s8] =	ssyncset.s32 @!p0 $0xFFFFF086;
	s6 =	sadd.s32 @!p0 s3, s7;
	s7 =	simm.s32 @!p0 $0x108  }
0x21: {  	s3 =	sadd.s32 s3, s9;
	s6 =	sadd.s32 @!p0 $0x88, s6;
	s7 =	simm.s32 @p2 $0x1082  }
0x22: {  	[simem:s7], [sflag:s8] =	dma.local @!p0 [hbm:s6], $0xF7A  }
0x23: {  	s9 =	sor.u32 $0xD0000000, s2;
	s6 =	simm.s32 $0x108;
	_ =	swait.ge @!p0 [sflag:s8], $0x0  }
0x24: {  	s3 =	sadd.s32 $0x88, s3;
	s6 =	simm.s32 @!p1 $0x1082;
	[sflag:s4] =	ssyncset.s32 $0xFFFFF086  }
0x25: {  	[simem:s6], [sflag:s4] =	dma.local [hbm:s3], $0xF7A  }
0x26: {  	[smem:$0x3F9E] =	sst s1;
	(tag) =	ssettag s2;
	_ =	strace s9  }
0x27: {  	s1 =	sld [smem:$0x3FAE]  }
0x28: {  	s2 =	sld [smem:$0x3FAF]  }
0x29: {  	s4 =	sld [smem:$0x3FB1]  }
0x2a: {  	p0 =	seq.s32 s5, $0x0;
	s5 =	sld [smem:$0x3FB2]  }
0x2b: {  	s6 =	sld [smem:$0x3FB3]  }
0x2c: {  	s7 =	sld [smem:$0x3FB4]  }
0x2d: {  	s3 =	simm.s32 $0x108;
	s8 =	sld [smem:$0x3FB5]  }
0x2e: {  	s3 =	simm.s32 @!p0 $0x1082;
	s9 =	sld [smem:$0x3FB6]  }
0x2f: {  	lr =	sadd.s32 s0, s3;
	s0 =	sld [smem:$0x3FAD]  }
0x30: {  	s3 =	sld [smem:$0x3FB0]  }
0x31: {  	[smem:$0x3FB9] =	sst s10  }
0x32: {  	s10 =	sld [smem:$0x3FB7];
	_ =	sdelay $0x3  }
0x33: {  	p0 =	seq.s32 s10, $0x1;
	s10 =	sld [smem:$0x3FB9];
	_ =	sdelay $0x3  }
0x34: {  	[smem:$0x3FB9] =	sst s10  }
0x35: {  	s10 =	sld [smem:$0x3FB8];
	_ =	sdelay $0x3  }
0x36: {  	p1 =	seq.s32 s10, $0x1;
	s10 =	sld [smem:$0x3FB9];
	_ =	sdelay $0x3  }
0x37: {  	[smem:$0x3FB9] =	sst s10  }
0x38: {  	s10 =	sld [smem:$0x3FBA]  }
0x39: {  	_ = 	snop;
	(pc) =	sbr.ind lr, $3  }
0x3a: {  	_ = 	snop  }
0x3b: {  	_ = 	snop  }
0x3c: {  	p2 =	seq.s32 s10, $0x1;
	s10 =	sld [smem:$0x3FB9]  }
0x3d: {  	_ =	shalt  }
0x3e: {  	_ =	shalt  }
0x3f: {  	_ =	shalt  }
0x40: {  	_ =	shalt  }
0x41: {  	_ =	shalt  }
0x42: {  	_ =	shalt  }
0x43: {  	_ =	shalt  }
0x44: {  	_ =	shalt  }
0x45: {  	_ =	shalt  }
0x46: {  	_ =	shalt  }
0x47: {  	_ =	shalt  }
0x48: {  	_ =	shalt  }
0x49: {  	_ =	shalt  }
0x4a: {  	_ =	shalt  }
0x4b: {  	_ =	shalt  }
0x4c: {  	_ =	shalt  }
0x4d: {  	_ =	shalt  }
0x4e: {  	_ =	shalt  }
0x4f: {  	_ =	shalt  }
0x50: {  	_ =	shalt  }
0x51: {  	_ =	shalt  }
0x52: {  	_ =	shalt  }
0x53: {  	_ =	shalt  }
0x54: {  	_ =	shalt  }
0x55: {  	_ =	shalt  }
0x56: {  	_ =	shalt  }
0x57: {  	_ =	shalt  }
0x58: {  	_ =	shalt  }
0x59: {  	_ =	shalt  }
0x5a: {  	_ =	shalt  }
0x5b: {  	_ =	shalt  }
0x5c: {  	_ =	shalt  }
0x5d: {  	_ =	shalt  }
0x5e: {  	_ =	shalt  }
0x5f: {  	_ =	shalt  }
0x60: {  	_ =	shalt  }
0x61: {  	_ =	shalt  }
0x62: {  	_ =	shalt  }
0x63: {  	_ =	shalt  }
0x64: {  	_ =	shalt  }
0x65: {  	_ =	shalt  }
0x66: {  	_ =	shalt  }
0x67: {  	_ =	shalt  }
0x68: {  	_ =	shalt  }
0x69: {  	_ =	shalt  }
0x6a: {  	_ =	shalt  }
0x6b: {  	_ =	shalt  }
0x6c: {  	_ =	shalt  }
0x6d: {  	_ =	shalt  }
0x6e: {  	_ =	shalt  }
0x6f: {  	_ =	shalt  }
0x70: {  	_ =	shalt  }
0x71: {  	_ =	shalt  }
0x72: {  	_ =	shalt  }
0x73: {  	_ =	shalt  }
0x74: {  	_ =	shalt  }
0x75: {  	_ =	shalt  }
0x76: {  	_ =	shalt  }
0x77: {  	_ =	shalt  }
0x78: {  	_ =	shalt  }
0x79: {  	_ =	shalt  }
0x7a: {  	_ =	shalt  }
0x7b: {  	_ =	shalt  }
0x7c: {  	_ =	shalt  }
0x7d: {  	_ =	shalt  }
0x7e: {  	_ =	shalt  }
0x7f: {  	_ =	shalt  }
0x80: {  	_ =	shalt  }
0x81: {  	_ =	shalt  }
0x82: {  	_ =	shalt  }
0x83: {  	_ =	shalt  }
0x84: {  	_ =	shalt  }
0x85: {  	_ =	shalt  }
0x86: {  	_ =	shalt  }
0x87: {  	_ =	shalt  }
.Lfunc_end0:
.L_simem_size_0:
called_computation_lowered:
.L_overlay_start_0:
0x88: {  	s2 =	sld [smem:$0x3FD9]  }
0x89: {  	s3 =	sld [smem:$0x3FFE];
	_ =	sdelay $0x1  }
0x8a: {  	s1 =	srdreg.scid  }
0x8b: {  	s0 =	sand.u32 $0x1, s1  }
0x8c: {  	s14 =	sshll.u32 s0, $0xA;
	s2 =	sadd.s32 s3, s2  }
0x8d: {  	s2 =	sadd.s32 s2, s14  }
0x8e: {  	[smem:$0x3FC5] =	sst s2  }
0x8f: {  	_ = 	snop  }
0x90: {  	s2 =	sld [smem:$0x3FD0];
	_ =	sdelay $0x2  }
0x91: {  	s15 =	simm.s32 $0xA;
	s4 =	simm.s32 $0x10  }
0x92: {  	[smem:s4], [sflag:s15] =	dma.local [hbm:s2], $0x1  }
0x93: {  	_ =	swait.eq [sflag:s15], $0x1  }
0x94: {  	[sflag:s15] =	ssyncset.done $0x0  }
0x95: {  	[sflag:s15] =	ssyncadd.s32 $0xFFFFFFFF  }
0x96: {  	s16 =	sld [smem:$0x10];
	(tm) =	ssettm $0x1  }
0x97: {  	s17 =	sld [smem:$0x3FFB];
	_ =	sdelay $0x3  }
0x98: {  	_ =	strace s17  }
0x99: {  	s3 =	sld [smem:$0x3FFC];
	_ =	sdelay $0x3  }
0x9a: {  	_ =	strace s3  }
0x9b: {  	s3 =	sld [smem:$0x3FFD];
	_ =	sdelay $0x3  }
0x9c: {  	_ =	strace s3  }
0x9d: {  	_ =	strace $0x8FFFFFFF  }
0x9e: {  	s18 =	sld [smem:$0x3FDB];
	_ =	sdelay $0x1  }
0x9f: {  	s19 =	simm.s32 $_scs_section_size  }
0xa0: {  	s5 =	simm.s32 $_size__tile_overlayer_lowered;
	s6 =	simm.s32 $_tile_overlayer_lowered  }
0xa1: {  	s22 =	simm.s32 $0x1BFF;
	s21 =	sshll.u32 s6, $0x1;
	s3 =	sadd.s32 s19, s18  }
0xa2: {  	s7 =	simm.s32 $0x0;
	s20 =	sshll.u32 s5, $0x1;
	s5 =	sadd.s32 s21, s3  }
0xa3: {  	[timem:s7], [sflag:s22] =	dma.local [hbm:s5], s20  }
0xa4: {  	_ =	swait.ge [sflag:s22], s20  }
0xa5: {  	s4 =	ssub.s32 $0x0, s20;
	[sflag:s22] =	ssyncset.done $0x0  }
0xa6: {  	[sflag:s22] =	ssyncadd.s32 s4;
	_ =	sdelay $0x1  }
0xa7: {  	s23 =	simm.s32 $0x1B8B  }
0xa8: {  	_ =	swait.ge [sflag:s23], $0x1  }
0xa9: {  	[sflag:s23] =	ssyncset.done $0x0  }
0xaa: {  	s25 =	simm.s32 $0x1B8E;
	s24 =	sld [smem:$0x3FFE];
	[sflag:s23] =	ssyncadd.s32 $0xFFFFFFFF  }
0xab: {  	s26 =	simm.s32 $execute0_lowered;
	[smem:$0x3FD2] =	sst s25  }
0xac: {  	s5 =	sshll.u32 s26, $0x1;
	_ =	strace $0x80000046;
	[dreg:$0x1] =	wrdreg $0xFFFFFFFF  }
0xad: {  	s28 =	simm.s32 $_size_execute0_lowered;
	s3 =	sadd.s32 s3, s5;
	[dreg:$0x0] =	wrdreg $0x0  }
0xae: {  	s5 =	sshll.u32 s28, $0x1;
	[dreg:$0x2] =	wrdreg s3  }
0xaf: {  	[dreg:$0x3] =	wrdreg s5  }
0xb0: {  	[dreg:$0x4] =	wrdreg $0xC0  }
0xb1: {  	_ =	task [dreg:s7], $0x5FFFF  }
0xb2: {  	[dreg:$0x1] =	wrdreg $0xFFFFFFFF  }
0xb3: {  	[dreg:$0x0] =	wrdreg $0x60  }
0xb4: {  	[dreg:$0x2] =	wrdreg s16  }
0xb5: {  	[dreg:$0x3] =	wrdreg s24  }
0xb6: {  	[dreg:$0x4] =	wrdreg $0x9  }
0xb7: {  	_ =	task.clear_ibuf [dreg:s7], $0x5FFFF;
	_ =	strace $0x90000046  }
0xb8: {  	s29 =	simm.s32 $0x9;
	_ =	strace $0x80000048  }
0xb9: {  	_ =	swait.ge [sflag:s29], $0x1  }
0xba: {  	[sflag:s29] =	ssyncadd.s32 $0xFFFFFFFF  }
0xbb: {  	_ =	strace $0x90000048  }
0xbc: {  	_ =	sfence  }
0xbd: {  	s30 =	sld [smem:$0x0];
	_ =	sdelay $0x2  }
0xbe: {  	s31 =	sshll.u32 s1, $0xD;
	s1 =	sshrl.u32 s1, $0x2  }
0xbf: {  	s3 =	sand.u32 $0x4000, s31;
	s1 =	sadd.s32 s1, s30  }
0xc0: {  	s0 =	sor.u32 s3, s0;
	s1 =	sshll.u32 s1, $0x11  }
0xc1: {  	s0 =	sor.u32 s1, s0  }
0xc2: {  	s0 =	sadd.s32 $0x8F2B, s0  }
0xc3: {  	[sflag:s0] =	ssyncadd.remote.s32 $0x1  }
0xc4: {  	_ =	sfence.sel $0xFFFF  }
0xc5: {  	[dreg:$0x0] =	wrdreg $0xFFFFFFFF;
	(pc) =	sbr.abs _section_cstart, $3  }
0xc6: {  	[dreg:$0x1] =	wrdreg $0xFFFFFFFF  }
0xc7: {  	_ =	task.clear_ibuf [dreg:s7], $0x2FFFF;
	_ =	strace $0x9FFFFFFF  }
0xc8: {  	(tm) =	ssettm $0x7FFFFFFF  }
0xc9: {  	_ =	shalt  }
tec
execute0_lowered:
.L_overlay_start_1:
0x0: {  	(tag) =	ssettag $0x1  }
0x1: {  	s3 =	rddreg [dreg:$0x0]  }
0x2: {  	s4 =	rddreg [dreg:$0x1]  }
0x3: {  	s0 =	rddreg [dreg:$0x2];
	s5 =	srdreg.scid  }
0x4: {  	s2 =	simm.s32 $0x0;
	s1 =	stileid.u32;
	s8 =	simm.s32 $0x0  }
0x5: {  	s5 =	sand.u32 $0x1, s5;
	s6 =	sshll.u32 s1, $0xD;
	[smem:$0x7FF] =	sst s2  }
0x6: {  	v0 =	vlaneseq.u32;
	s7 =	sshll.u32 s5, $0xC;
	s5 =	ssub.s32 $0x2, s5;
	_ =	strace $0x80000047  }
0x7: {  	vm0 =	vmmov $0xff;
	v1 =	vimm.s32 $0x0;
	v0 =	vmul.u32 $0xFFFFFFFF, v0;
	s6 =	sor.u32 s7, s6;
	s31 =	sshrl.u32 s5, $0x1;
	s7 =	simm.s32 $0x8000  }
0x8: {  	v1 =	vsel vm0, $0xFFFFFFFF, v1;
	s4 =	sadd.s32 s6, s4;
	s5 =	ssub.s32 s5, s31;
	s3 =	sadd.s32 s3, s6  }
0x9: {  	[tilespmem:$0x1FFF0] =	vst v1;
	v1 =	vimm.s32 $0x0;
	v0 =	vadd.s32 $0xF, v0;
	s6 =	simm.s32 $0x1;
	s4 =	sadd.s32 $0x800, s4;
	s5 =	smax.u32 s5, $0x1  }
.LBB2_1:
0xa: {  	[tilespmem:s2], [sflag:$0x1] =	stream.linear.gather [hbm4b:s3+s2], $0x8000, $0x38;
	[tilespmem:$0x10000] =	vst v63  }
0xb: {  	_ =	swait.ge [sflag:s6], $0x8000  }
0xc: {  	[sflag:s6] =	ssyncset.done $0x0  }
0xd: {  	s9 =	simm.s32 $0x40;
	[sflag:s6] =	ssyncadd.s32 $0xFFFF8000  }
0xe: {  	v3 =	vld [tilespmem:s9+$0x10]  }
0xf: {  	v6 =	vld [tilespmem:s9+$0x30];
	_ =	sdelay $0x1  }
0x10: {  	v2 =	vld [tilespmem:s9+$0x20];
	_ =	sdelay $0x1  }
0x11: {  	(xrf1) =	vsort.dscd.msk.f32 $0xffff, v3, v3  }
0x12: {  	v4 =	vld [tilespmem:s9+$0x0];
	(xrf1) =	vsort.dscd.msk.f32 $0xffff, v6, v6  }
0x13: {  	v7 =	vld [tilespmem:s9+$0xFFFFFFF0]  }
0x14: {  	(xrf1) =	vsort.dscd.msk.f32 $0xffff, v2, v2  }
0x15: {  	v8 =	vld [tilespmem:s9+$0xFFFFFFD0]  }
0x16: {  	v9 =	vld [tilespmem:s9+$0xFFFFFFE0]  }
0x17: {  	(xrf1) =	vsort.dscd.msk.f32 $0xffff, v4, v4  }
0x18: {  	v10 =	vld [tilespmem:s9+$0xFFFFFFC0];
	(xrf1) =	vsort.dscd.msk.f32 $0xffff, v7, v7;
	_ =	sdelay $0x1  }
0x19: {  	(xrf1) =	vsort.dscd.msk.f32 $0xffff, v8, v8  }
0x1a: {  	(xrf1) =	vsort.dscd.msk.f32 $0xffff, v9, v9;
	_ =	sdelay $0x1  }
0x1b: {  	v13 =	vld [tilespmem:$0x1FFF0];
	(xrf1) =	vsort.dscd.msk.f32 $0xffff, v10, v10;
	_ =	sdelay $0x1  }
0x1c: {  	v5, _, _ =	vpop (xrf1)  }
0x1d: {  	v11, _, _ =	vpop (xrf1)  }
0x1e: {  	v11 =	vperm.xlane v11, v0  }
0x1f: {  	vm1 =	vnez.u8 v13;
	v12, _, _ =	vpop (xrf1)  }
0x20: {  	v11 =	vsel vm1, v12, v11  }
0x21: {  	v5 =	vperm.xlane v5, v0  }
0x22: {  	v12, _, _ =	vpop (xrf1);
	(xrf1) =	vsort.dscd.msk.f32 $0xffff, v11, v11  }
0x23: {  	v5 =	vsel vm1, v12, v5;
	v11, _, _ =	vpop (xrf1)  }
0x24: {  	(xrf1) =	vsort.dscd.msk.f32 $0xffff, v5, v5;
	v11 =	vperm.xlane v11, v0  }
0x25: {  	v12, _, _ =	vpop (xrf1)  }
0x26: {  	v5, _, _ =	vpop (xrf1)  }
0x27: {  	v12 =	vperm.xlane v12, v0;
	v5 =	vsel vm1, v5, v11  }
0x28: {  	(xrf1) =	vsort.dscd.msk.f32 $0xffff, v5, v5;
	v11, _, _ =	vpop (xrf1)  }
0x29: {  	v5 =	vsel vm1, v11, v12  }
0x2a: {  	(xrf1) =	vsort.dscd.msk.f32 $0xffff, v5, v5;
	_ =	sdelay $0x5  }
0x2b: {  	v5, _, _ =	vpop (xrf1)  }
0x2c: {  	v5 =	vperm.xlane v5, v0  }
0x2d: {  	v11, _, _ =	vpop (xrf1)  }
0x2e: {  	v5 =	vsel vm1, v11, v5  }
0x2f: {  	(xrf1) =	vsort.dscd.msk.f32 $0xffff, v5, v5;
	_ =	sdelay $0x1  }
0x30: {  	v5, _, _ =	vpop (xrf1)  }
0x31: {  	v5 =	vperm.xlane v5, v0  }
0x32: {  	v11, _, _ =	vpop (xrf1)  }
0x33: {  	v5 =	vsel vm1, v11, v5  }
0x34: {  	s30 =	simm.s32 $0xC0;
	(xrf1) =	vsort.dscd.msk.f32 $0xffff, v5, v5  }
0x35: {  	v5 =	vld [tilespmem:s30+$0x10]  }
0x36: {  	v13 =	vld [tilespmem:s30+$0x30];
	_ =	sdelay $0x2  }
0x37: {  	v11 =	vld [tilespmem:s30+$0x20]  }
0x38: {  	v16 =	vld [tilespmem:s30+$0x0];
	(xrf1) =	vsort.dscd.msk.f32 $0xffff, v5, v5  }
0x39: {  	(xrf1) =	vsort.dscd.msk.f32 $0xffff, v13, v13  }
0x3a: {  	v17 =	vld [tilespmem:s30+$0xFFFFFFF0];
	v12, _, _ =	vpop (xrf1)  }
0x3b: {  	v19 =	vld [tilespmem:s30+$0xFFFFFFD0];
	(xrf0) =	vmax.scan.msk.f32 $0xffff, v12  }
0x3c: {  	v20 =	vld [tilespmem:s30+$0xFFFFFFE0];
	(xrf1) =	vsort.dscd.msk.f32 $0xffff, v11, v11  }
0x3d: {  	(xrf1) =	vsort.dscd.msk.f32 $0xffff, v16, v16;
	_ =	sdelay $0x1  }
0x3e: {  	(xrf1) =	vsort.dscd.msk.f32 $0xffff, v17, v17  }
0x3f: {  	(xrf1) =	vsort.dscd.msk.f32 $0xffff, v19, v19;
	v14, _, _ =	vpop (xrf1)  }
0x40: {  	(xrf1) =	vsort.dscd.msk.f32 $0xffff, v20, v20;
	v21, _, _ =	vpop (xrf0)  }
0x41: {  	v15 =	vsub.f32 $0.0e+00, v14;
	(xrf0) =	vmax.scan.msk.f32 $0xffff, v14;
	v22 =	vsub.f32 v12, v21  }
0x42: {  	v18 =	vld [tilespmem:s30+$0xFFFFFFC0]  }
0x43: {  	v15 =	vnsel vm1, $0xFF800000, v15  }
0x44: {  	(xrf0) =	vmax.scan.msk.f32 $0xffff, v15;
	v15 =	vmul.f32 $1.442695020e+00, v22  }
0x45: {  	v22, _, _ =	vpop (xrf1)  }
0x46: {  	v23, _, _ =	vpop (xrf1);
	(erf) = vpow2.f32 v15;
	v15 =	vsub.f32 v4, v21  }
0x47: {  	(xrf1) =	vsort.dscd.msk.f32 $0xffff, v18, v18;
	v24, _, _ =	vpop (xrf0)  }
0x48: {  	v23 =	vperm.xlane v23, v0;
	v15 =	vmul.f32 $1.442695020e+00, v15;
	v14 =	vsub.f32 v14, v24  }
0x49: {  	v25, _, _ =	vpop (xrf1)  }
0x4a: {  	v23 =	vsel vm1, v25, v23;
	v25, _, _ =	vpop (xrf1);
	v14 =	vmul.f32 $1.442695020e+00, v14  }
0x4b: {  	v22 =	vperm.xlane v22, v0;
	v26, _, _ =	vpop (xrf0)  }
0x4c: {  	(erf) = vpow2.f32 v15;
	(xrf1) =	vsort.dscd.msk.f32 $0xffff, v23, v23;
	v15, _, _ =	vpop (xrf1)  }
0x4d: {  	v22 =	vsel vm1, v25, v22;
	v15 =	vperm.xlane v15, v0;
	v25, _, _ =	vpop (xrf1)  }
0x4e: {  	v12 =	vsub.f32 $0.0e+00, v12;
	v23 =	vperm.xlane v26, v0;
	(xrf1) =	vsort.dscd.msk.f32 $0xffff, v22, v22;
	(erf) = vpow2.f32 v14;
	v14, _, _ =	vpop (xrf1)  }
0x4f: {  	v14 =	vsel vm1, v14, v15  }
0x50: {  	v12 =	vnsel vm1, $0xFF800000, v12;
	(xrf0) =	vmax.scan.msk.f32 $0xffff, v23  }
0x51: {  	(xrf0) =	vmax.scan.msk.f32 $0xffff, v12  }
0x52: {  	(xrf1) =	vsort.dscd.msk.f32 $0xffff, v14, v14;
	v14 =	vpop (erf)  }
0x53: {  	v14 =	vnsel vm1, $0x0, v14  }
0x54: {  	v23 =	vsub.f32 v10, v24;
	v15 =	vperm.xlane v25, v0;
	(xrf2) =	vadd.scan.msk.f32 $0xffff, v14  }
0x55: {  	v12, _, _ =	vpop (xrf1)  }
0x56: {  	v23 =	vmul.f32 $1.442695020e+00, v23;
	v12 =	vsel vm1, v12, v15;
	v22, _, _ =	vpop (xrf0)  }
0x57: {  	v22 =	vsub.f32 $0.0e+00, v22;
	v28, _, _ =	vpop (xrf0)  }
0x58: {  	v25 =	vsub.f32 v8, v24;
	v28 =	vperm.xlane v28, v0  }
0x59: {  	v26 =	vsub.f32 v9, v24;
	(xrf1) =	vsort.dscd.msk.f32 $0xffff, v12, v12;
	(erf) = vpow2.f32 v23;
	v12 =	vpop (erf);
	vm5 =	veq.f32 v7, v22  }
0x5a: {  	v25 =	vmul.f32 $1.442695020e+00, v25;
	v29 =	vsel vm5, $0x1, v1;
	v23, _, _ =	vpop (xrf1)  }
0x5b: {  	v26 =	vmul.f32 $1.442695020e+00, v26;
	v24 =	vsub.f32 v7, v24;
	v27 =	vpop (erf);
	(xrf0) =	vadd.scan.msk.s32 $0xffff, v29;
	v23 =	vperm.xlane v23, v0  }
0x5c: {  	v15 =	vsub.f32 v2, v21;
	v14 =	vsub.f32 v3, v21;
	v27 =	vnsel vm1, $0x0, v27;
	(xrf0) =	vmax.scan.msk.f32 $0xffff, v28;
	v28, _, _ =	vpop (xrf1)  }
0x5d: {  	v24 =	vmul.f32 $1.442695020e+00, v24;
	(erf) = vpow2.f32 v25;
	(xrf2) =	vadd.scan.msk.f32 $0xffff, v27;
	v23 =	vsel vm1, v28, v23  }
0x5e: {  	v15 =	vmul.f32 $1.442695020e+00, v15;
	v14 =	vmul.f32 $1.442695020e+00, v14;
	(xrf1) =	vsort.dscd.msk.f32 $0xffff, v23, v23;
	v25, _, _ =	vpop (xrf2)  }
0x5f: {  	vm9 =	veq.f32 v8, v22;
	vm7 =	veq.f32 v9, v22;
	v25 =	vperm.xlane v25, v0  }
0x60: {  	(erf) = vpow2.f32 v26;
	vm8 =	veq.f32 v10, v22;
	vm0 =	vgt.f32 v10, v22  }
0x61: {  	v10 =	vimm.s32 $0x0;
	vm11 =	vgt.f32 v8, v22;
	v27 =	vsel vm9, $0x1, v1  }
0x62: {  	vm6 =	vgt.f32 v9, v22;
	v9 =	vsub.f32 v6, v21;
	vm13 =	vgt.f32 v7, v22;
	(xrf0) =	vadd.scan.msk.s32 $0xffff, v27;
	v30 =	vpop (erf)  }
0x63: {  	v26 =	vsel vm7, $0x1, v1;
	v8 =	vmpcnt.ones.xlane vm0;
	(erf) = vpow2.f32 v24;
	(xrf0) =	vmax.scan.msk.f32 $0xffff, v25;
	v25, _, _ =	vpop (xrf0)  }
0x64: {  	v10 =	vsel vm0, $0xFFFFFFFF, v10;
	(erf) = vpow2.f32 v14;
	v7 =	vmul.f32 $1.442695020e+00, v9;
	v21, _, _ =	vpop (xrf0)  }
0x65: {  	(erf) = vpow2.f32 v15;
	v23 =	vmpcnt.ones.xlane vm11;
	v27, _, _ =	vpop (xrf1);
	(xrf0) =	vadd.scan.msk.s32 $0xffff, v26;
	v21 =	vsub.f32 $0.0e+00, v21  }
0x66: {  	[tilespmem:$0x1FF90] =	vst v10;
	v10 =	vsel vm8, $0x1, v1;
	(erf) = vpow2.f32 v7;
	v31 =	vpop (erf);
	v22 =	vperm.xlane v27, v0  }
0x67: {  	v28 =	vmpcnt.ones.xlane vm6;
	v8 =	vadd.s32 v23, v8;
	v14, _, _ =	vpop (xrf1);
	vm14 =	veq.f32 v6, v21  }
0x68: {  	s31 =	simm.s32 $0x140;
	v27 =	vmpcnt.ones.xlane vm13;
	v9, _, _ =	vpop (xrf2);
	v7 =	vsel vm1, v14, v22;
	v15 =	vsel vm14, $0x1, v1  }
0x69: {  	v14 =	vperm.xlane v9, v0;
	v9 =	vld [tilespmem:s31+$0x10];
	v26, _, _ =	vpop (xrf0);
	vm0 =	vgt.f32 v4, v21;
	(xrf0) =	vadd.scan.msk.s32 $0xffff, v15;
	v15 =	vimm.s32 $0x0  }
0x6a: {  	v29 =	vmpcnt.ones.xlane vm8;
	v8 =	vadd.s32 v28, v8;
	(xrf1) =	vsort.dscd.msk.f32 $0xffff, v7, v7;
	v24, _, _ =	vpop (xrf0);
	v15 =	vsel vm0, $0xFFFFFFFF, v15  }
0x6b: {  	v8 =	vadd.s32 v27, v8;
	vm2 =	vgt.f32 v2, v21;
	(erf) = vrcp.f32 v24;
	v32, _, _ =	vpop (xrf0)  }
0x6c: {  	vm15 =	vgt.f32 v6, v21;
	vm12 =	vgt.f32 v3, v21;
	vm10 =	veq.f32 v4, v21;
	(xrf0) =	vmax.scan.msk.f32 $0xffff, v14;
	v28, _, _ =	vpop (xrf1)  }
0x6d: {  	vm4 =	veq.f32 v2, v21;
	v4 =	vmpcnt.ones.xlane vm0;
	v7 =	vmpcnt.ones.xlane vm12;
	[tilespmem:$0x1FFD0] =	vst v15;
	v15 =	vpop (erf)  }
0x6e: {  	(xrf1) =	vsort.dscd.msk.f32 $0xffff, v9, v9;
	v6 =	vmpcnt.ones.xlane vm15;
	vm0 =	veq.f32 v3, v21;
	v14 =	vmpcnt.ones.xlane vm2;
	v22 =	vpop (erf)  }
0x6f: {  	v21 =	vmpcnt.ones.xlane vm10;
	v2 =	vadd.s32 v7, v4;
	v7 =	vmpcnt.ones.xlane vm0;
	v3 =	vld [tilespmem:s31+$0x30];
	v33 =	vpop (erf)  }
0x70: {  	v26 =	vadd.s32 v29, v26;
	v34 =	vmpcnt.ones.xlane vm4;
	(xrf0) =	vadd.scan.msk.s32 $0xffff, v10;
	v10 =	vmpcnt.ones.xlane vm9;
	v4 =	vld [tilespmem:s31+$0x20];
	v23, _, _ =	vpop (xrf0)  }
0x71: {  	v2 =	vadd.s32 v14, v2;
	v14 =	vsel vm0, $0x1, v1;
	v24 =	vadd.s32 v21, v7;
	v7 =	vld [tilespmem:s31+$0x0];
	v35 =	vpop (erf)  }
0x72: {  	v2 =	vadd.s32 v6, v2;
	(xrf0) =	vadd.scan.msk.s32 $0xffff, v14;
	v14 =	vmpcnt.ones.xlane vm7;
	v6 =	vadd.s32 v23, v34;
	v55, _, _ =	vpop (xrf0)  }
0x73: {  	v37 =	vadd.s32 v29, v10;
	v23 =	vsub.s32 $0x8, v2;
	v2 =	vld [tilespmem:s31+$0xFFFFFFF0];
	(xrf0) =	vmax.scan.msk.f32 $0xffff, v28;
	v6 =	vadd.s32 v24, v6;
	v27 =	vpop (erf)  }
0x74: {  	v36 =	vsub.s32 $0x8, v8;
	(xrf1) =	vsort.dscd.msk.f32 $0xffff, v3, v3;
	v10 =	vadd.s32 v25, v14;
	vm3 =	vle.s32 v6, v23;
	v6 =	vld [tilespmem:s31+$0xFFFFFFD0];
	v25 =	vpop (erf)  }
0x75: {  	v8 =	vld [tilespmem:s31+$0xFFFFFFE0];
	v29 =	vadd.s32 v32, v37;
	(xrf1) =	vsort.dscd.msk.f32 $0xffff, v4, v4;
	vm3 =	vmand vm14, vm3;
	v14 =	vmul.f32 v27, v25  }
0x76: {  	(erf) = vrcp.f32 v55;
	v10 =	vadd.s32 v37, v10;
	(xrf1) =	vsort.dscd.msk.f32 $0xffff, v7, v7;
	vm3 =	vmor vm15, vm3  }
0x77: {  	vm14 =	vle.s32 v10, v36;
	v27, _, _ =	vpop (xrf0);
	v10 =	vld [tilespmem:s31+$0xFFFFFFC0];
	v56 =	vnsel vm3, $0x0, v14;
	vm3 =	vle.s32 v26, v36  }
0x78: {  	(xrf1) =	vsort.dscd.msk.f32 $0xffff, v2, v2;
	v26, _, _ =	vpop (xrf1);
	vm3 =	vmand vm9, vm3;
	vm9 =	vle.s32 v29, v36  }
0x79: {  	v61 =	vsel vm4, $0x1, v1;
	vm5 =	vmand vm5, vm14;
	v14, _, _ =	vpop (xrf0);
	(xrf1) =	vsort.dscd.msk.f32 $0xffff, v6, v6;
	vm9 =	vmand vm7, vm9  }
0x7a: {  	v29 =	vmul.f32 v33, v25;
	v14 =	vadd.s32 v21, v14;
	(xrf1) =	vsort.dscd.msk.f32 $0xffff, v8, v8;
	v21, _, _ =	vpop (xrf0);
	vm6 =	vmor vm6, vm9  }
0x7b: {  	(xrf0) =	vmax.scan.msk.f32 $0xffff, v26;
	vm7 =	vle.s32 v14, v23;
	v14 =	vmul.f32 v12, v25;
	v57 =	vsub.f32 v16, v21  }
0x7c: {  	v47 =	vld [tilespmem:$0x1FF90];
	v60, _, _ =	vpop (xrf1);
	(xrf1) =	vsort.dscd.msk.f32 $0xffff, v10, v10;
	vm7 =	vmand vm0, vm7;
	vm0 =	vle.s32 v27, v36;
	v27 =	vsub.f32 $0.0e+00, v26  }
0x7d: {  	v58 =	vsub.f32 v5, v21;
	v36 =	vperm.xlane v60, v0;
	vm8 =	vmand vm8, vm0  }
0x7e: {  	vm0 =	vmor vm13, vm5;
	vm5 =	vmor vm11, vm3;
	v12 =	vnsel vm1, $0xFF800000, v27  }
0x7f: {  	v59 =	vpop (erf);
	v33 =	vmul.f32 $1.442695020e+00, v57;
	v34 =	vmul.f32 $1.442695020e+00, v58;
	v27 =	vsub.f32 v28, v21;
	(xrf0) =	vmax.scan.msk.f32 $0xffff, v12  }
0x80: {  	v30 =	vmul.f32 v30, v59;
	vm7 =	vmor vm12, vm7;
	v31 =	vmul.f32 v31, v59  }
0x81: {  	vm3 =	vnez.u8 v47;
	v52 =	vmul.f32 v15, v59;
	v39, _, _ =	vpop (xrf0);
	v27 =	vmul.f32 $1.442695020e+00, v27  }
0x82: {  	v22 =	vmul.f32 v22, v59;
	vm3 =	vmor vm3, vm8;
	v12 =	vmul.f32 v35, v25;
	v38, _, _ =	vpop (xrf1)  }
0x83: {  	v28 =	vsub.f32 $0.0e+00, v28;
	(erf) = vpow2.f32 v27;
	v38 =	vperm.xlane v38, v0;
	v62, _, _ =	vpop (xrf1)  }
0x84: {  	v25 =	vsub.f32 v11, v21;
	v30 =	vnsel vm3, $0x0, v30;
	v26 =	vsub.f32 v26, v39;
	v43, _, _ =	vpop (xrf1)  }
0x85: {  	v31 =	vnsel vm5, $0x0, v31;
	(xrf0) =	vadd.scan.msk.s32 $0xffff, v61;
	(erf) = vpow2.f32 v33;
	v33 =	vsel vm1, v62, v38;
	v63, _, _ =	vpop (xrf0)  }
0x86: {  	v26 =	vmul.f32 $1.442695020e+00, v26;
	(xrf1) =	vsort.dscd.msk.f32 $0xffff, v33, v33;
	v33 =	vsel vm1, v43, v36;
	v44, _, _ =	vpop (xrf1);
	v38 =	vperm.xlane v63, v0  }
0x87: {  	v54 =	vnsel vm6, $0x0, v52;
	v22 =	vnsel vm0, $0x0, v22;
	v36 =	vperm.xlane v44, v0;
	(xrf1) =	vsort.dscd.msk.f32 $0xffff, v33, v33;
	v46, _, _ =	vpop (xrf1)  }
0x88: {  	v40 =	vsub.f32 v18, v39;
	v27 =	vsel vm10, $0x1, v1;
	(erf) = vpow2.f32 v26;
	v48, _, _ =	vpop (xrf1);
	(xrf0) =	vmax.scan.msk.f32 $0xffff, v38  }
0x89: {  	v21 =	vsub.f32 v13, v21;
	v33 =	vperm.xlane v46, v0;
	v36 =	vsel vm1, v48, v36;
	(xrf0) =	vadd.scan.msk.s32 $0xffff, v27  }
0x8a: {  	v41 =	vsub.f32 v19, v39;
	v28 =	vnsel vm1, $0xFF800000, v28;
	v40 =	vmul.f32 $1.442695020e+00, v40;
	v51, _, _ =	vpop (xrf1);
	(xrf1) =	vsort.dscd.msk.f32 $0xffff, v36, v36  }
0x8b: {  	v45 =	vsub.f32 v20, v39;
	v25 =	vmul.f32 $1.442695020e+00, v25;
	v53, _, _ =	vpop (xrf0);
	(xrf0) =	vmax.scan.msk.f32 $0xffff, v28;
	v28 =	vsel vm1, v51, v33  }
0x8c: {  	v26 =	vsub.f32 v17, v39;
	(erf) = vpow2.f32 v40;
	v24 =	vadd.s32 v53, v24;
	v50 =	vpop (erf)  }
0x8d: {  	v49 =	vmul.f32 $1.442695020e+00, v41;
	vm0 =	vle.s32 v24, v23;
	(xrf1) =	vsort.dscd.msk.f32 $0xffff, v28, v28;
	v15 =	vnsel vm1, $0x0, v50  }
0x8e: {  	v26 =	vmul.f32 $1.442695020e+00, v26;
	v24 =	vnsel vm7, $0x0, v29;
	vm0 =	vmand vm4, vm0;
	(xrf2) =	vadd.scan.msk.f32 $0xffff, v15;
	v28, _, _ =	vpop (xrf0)  }
0x8f: {  	v27 =	vmul.f32 $1.442695020e+00, v45;
	vm0 =	vmor vm2, vm0;
	v28 =	vsub.f32 $0.0e+00, v28;
	v29, _, _ =	vpop (xrf0)  }
0x90: {  	(erf) = vpow2.f32 v49;
	v15 =	vpop (erf);
	vm3 =	vle.s32 v29, v23;
	v23 =	vimm.s32 $0x0  }
0x91: {  	v55 =	vpop (erf);
	v23 =	vsel vm0, $0xFFFFFFFF, v23;
	vm9 =	veq.f32 v19, v28;
	vm0 =	vgt.f32 v18, v28  }
0x92: {  	s9 =	simm.s32 $0x8040;
	vm6 =	vgt.f32 v19, v28;
	v19 =	vimm.s32 $0x0;
	[tilespmem:$0x1FFA0] =	vst v23;
	v23 =	vnsel vm1, $0x0, v55  }
0x93: {  	(erf) = vpow2.f32 v27;
	v19 =	vsel vm0, $0xFFFFFFFF, v19;
	[tilespmem:s9+$0x30] =	vst v56;
	(xrf2) =	vadd.scan.msk.f32 $0xffff, v23  }
0x94: {  	v27, _, _ =	vpop (xrf0);
	vm8 =	veq.f32 v17, v28;
	vm2 =	vgt.f32 v20, v28;
	[tilespmem:$0x1FFB0] =	vst v19;
	v19 =	vimm.s32 $0x0  }
0x95: {  	vm5 =	veq.f32 v18, v28;
	v18 =	vpop (erf);
	v56 =	vsel vm8, $0x1, v1;
	v19 =	vsel vm2, $0xFFFFFFFF, v19  }
0x96: {  	vm7 =	veq.f32 v20, v28;
	v59 =	vperm.xlane v27, v0;
	(erf) = vpow2.f32 v26;
	v57, _, _ =	vpop (xrf1);
	(xrf0) =	vadd.scan.msk.s32 $0xffff, v56  }
0x97: {  	v29 =	vsel vm9, $0x1, v1;
	v61 =	vmpcnt.ones.xlane vm0;
	v60, _, _ =	vpop (xrf1);
	[tilespmem:s9+$0xFFFFFFC0] =	vst v30;
	v30 =	vmpcnt.ones.xlane vm6  }
0x98: {  	v62 =	vmpcnt.ones.xlane vm2;
	vm0 =	vmand vm10, vm3;
	vm10 =	vgt.f32 v17, v28;
	[tilespmem:$0x1FFC0] =	vst v19;
	v19, _, _ =	vpop (xrf2)  }
0x99: {  	v20 =	vmpcnt.ones.xlane vm5;
	(erf) = vpow2.f32 v34;
	[tilespmem:s9+$0xFFFFFFD0] =	vst v31;
	v30 =	vadd.s32 v30, v61;
	v17, _, _ =	vpop (xrf1)  }
0x9a: {  	(xrf0) =	vmax.scan.msk.f32 $0xffff, v59;
	v31 =	vmpcnt.ones.xlane vm10;
	[tilespmem:s9+$0xFFFFFFE0] =	vst v54;
	v28 =	vperm.xlane v19, v0;
	v19 =	vpop (erf)  }
0x9b: {  	(xrf0) =	vadd.scan.msk.s32 $0xffff, v29;
	[tilespmem:s9+$0xFFFFFFF0] =	vst v22;
	v22 =	vmpcnt.ones.xlane vm7;
	v29 =	vadd.s32 v62, v30;
	v63, _, _ =	vpop (xrf1)  }
0x9c: {  	v26 =	vperm.xlane v17, v0;
	v30, _, _ =	vpop (xrf0);
	(xrf0) =	vmax.scan.msk.f32 $0xffff, v28;
	v28 =	vadd.s32 v31, v29;
	v29 =	vmpcnt.ones.xlane vm9  }
0x9d: {  	[tilespmem:s9+$0x10] =	vst v24;
	(erf) = vpow2.f32 v25;
	v22 =	vadd.s32 v30, v22;
	v30 =	vmul.f32 $1.442695020e+00, v21;
	v21, _, _ =	vpop (xrf2)  }
0x9e: {  	v25 =	vadd.s32 v20, v29;
	v29 =	vsel vm1, v63, v26;
	v26 =	vperm.xlane v21, v0;
	v21 =	vld [tilespmem:$0x1FFD0]  }
0x9f: {  	v23 =	vperm.xlane v57, v0;
	_ =	sdelay $0x1  }
0xa0: {  	v23 =	vsel vm1, v60, v23  }
0xa1: {  	v58 =	vsel vm7, $0x1, v1;
	(xrf1) =	vsort.dscd.msk.f32 $0xffff, v23, v23  }
0xa2: {  	(xrf0) =	vadd.scan.msk.s32 $0xffff, v58;
	vm1 =	vnez.u8 v21  }
0xa3: {  	v31, _, _ =	vpop (xrf0);
	v21 =	vimm.s32 $0x0;
	vm0 =	vmor vm1, vm0  }
0xa4: {  	v24 =	vsub.s32 $0x8, v28;
	v28 =	vsub.f32 $0.0e+00, v31;
	v21 =	vsel vm0, $0xFFFFFFFF, v21  }
0xa5: {  	v17 =	vpop (erf)  }
0xa6: {  	v27 =	vsel vm5, $0x1, v1;
	v23, _, _ =	vpop (xrf0);
	(erf) = vpow2.f32 v30;
	vm15 =	veq.f32 v13, v28  }
0xa7: {  	s11 =	simm.s32 $0x4;
	s12 =	simm.s32 $0x1C0;
	s10 =	simm.s32 $0x8040;
	(xrf1) =	vsort.dscd.msk.f32 $0xffff, v29, v29;
	v22 =	vadd.s32 v25, v22;
	v29 =	vsel vm15, $0x1, v1;
	[tilespmem:$0x1FFE0] =	vst v21;
	v21, _, _ =	vpop (xrf0)  }
.LBB2_2:
0xa8: {  	v30 =	vadd.s32 v20, v23;
	vm0 =	vle.s32 v22, v24;
	v31, _, _ =	vpop (xrf0)  }
0xa9: {  	(erf) = vrcp.f32 v21;
	(xrf0) =	vadd.scan.msk.s32 $0xffff, v29;
	v20 =	vmovc v2;
	vm2 =	vgt.f32 v16, v28;
	v2 =	vimm.s32 $0x0  }
0xaa: {  	vm4 =	vgt.f32 v11, v28;
	vm11 =	vgt.f32 v13, v28;
	vm1 =	vgt.f32 v5, v28  }
0xab: {  	v22 =	vmovc v8;
	v23 =	vmovc v10;
	vm12 =	veq.f32 v16, v28;
	vm3 =	veq.f32 v5, v28;
	v13 =	vmpcnt.ones.xlane vm11  }
0xac: {  	v33 =	vld [tilespmem:s12+$0x10];
	vm14 =	veq.f32 v11, v28;
	(xrf0) =	vmax.scan.msk.f32 $0xffff, v26;
	v8 =	vmpcnt.ones.xlane vm2;
	v10 =	vmpcnt.ones.xlane vm1;
	v26 =	vpop (erf)  }
0xad: {  	v29 =	vld [tilespmem:s12+$0x30];
	v5 =	vmov v9;
	v16 =	vmpcnt.ones.xlane vm4;
	v11 =	vmpcnt.ones.xlane vm12;
	v34 =	vpop (erf)  }
0xae: {  	v28 =	vmpcnt.ones.xlane vm3;
	v41 =	vmpcnt.ones.xlane vm14;
	v9 =	vadd.s32 v10, v8;
	v36 =	vpop (erf)  }
0xaf: {  	v2 =	vsel vm2, $0xFFFFFFFF, v2;
	v9 =	vadd.s32 v16, v9;
	v40, _, _ =	vpop (xrf0)  }
0xb0: {  	(xrf0) =	vadd.scan.msk.s32 $0xffff, v27;
	v32, _, _ =	vpop (xrf1);
	v16 =	vadd.s32 v11, v28;
	v42 =	vadd.s32 v13, v9;
	v40 =	vadd.s32 v40, v41  }
0xb1: {  	v38 =	vsel vm3, $0x1, v1;
	(xrf1) =	vsort.dscd.msk.f32 $0xffff, v33, v33;
	v28 =	vsub.s32 $0x8, v42;
	v46 =	vadd.s32 v16, v40;
	v13 =	vpop (erf)  }
0xb2: {  	v35 =	vld [tilespmem:s12+$0x20];
	[tilespmem:$0x1FF80] =	vst v2;
	v2 =	vimm.s32 $0x0;
	(xrf1) =	vsort.dscd.msk.f32 $0xffff, v29, v29;
	vm2 =	vle.s32 v46, v28;
	v9 =	vpop (erf)  }
0xb3: {  	v27 =	vld [tilespmem:s12+$0x0];
	v2 =	vsel vm4, $0xFFFFFFFF, v2;
	v37, _, _ =	vpop (xrf0);
	(xrf0) =	vadd.scan.msk.s32 $0xffff, v38;
	vm2 =	vmand vm15, vm2;
	v13 =	vmul.f32 v13, v9  }
0xb4: {  	[tilespmem:$0x1FF70] =	vst v2;
	v2 =	vld [tilespmem:s12+$0xFFFFFFF0];
	(xrf0) =	vmax.scan.msk.f32 $0xffff, v32;
	vm2 =	vmor vm11, vm2  }
0xb5: {  	v21 =	vmov v6;
	v6 =	vld [tilespmem:s12+$0xFFFFFFD0];
	s9 =	sadd.s32 $0x80, s9;
	v13 =	vnsel vm2, $0x0, v13  }
0xb6: {  	(erf) = vrcp.f32 v37;
	[tilespmem:s9+$0x30] =	vst v13;
	v13 =	vld [tilespmem:$0x1FFF0]  }
0xb7: {  	v25 =	vadd.s32 v31, v25;
	v8 =	vld [tilespmem:s12+$0xFFFFFFE0];
	vm4 =	vle.s32 v30, v24;
	(xrf1) =	vsort.dscd.msk.f32 $0xffff, v35, v35;
	v30, _, _ =	vpop (xrf0)  }
0xb8: {  	v47, _, _ =	vpop (xrf1);
	(xrf1) =	vsort.dscd.msk.f32 $0xffff, v27, v27;
	vm15 =	vle.s32 v30, v24;
	v30 =	vmul.f32 v15, v9  }
0xb9: {  	v10 =	vld [tilespmem:s12+$0xFFFFFFC0];
	(xrf1) =	vsort.dscd.msk.f32 $0xffff, v2, v2;
	v34 =	vmul.f32 v34, v9;
	v31 =	vmul.f32 v36, v9;
	v9, _, _ =	vpop (xrf0)  }
0xba: {  	vm13 =	vle.s32 v25, v24;
	(xrf1) =	vsort.dscd.msk.f32 $0xffff, v6, v6;
	v15 =	vsub.f32 $0.0e+00, v47;
	v25, _, _ =	vpop (xrf0)  }
0xbb: {  	(xrf0) =	vmax.scan.msk.f32 $0xffff, v47;
	v48 =	vsub.f32 v32, v25;
	vm11 =	vnez.u8 v13  }
0xbc: {  	(xrf1) =	vsort.dscd.msk.f32 $0xffff, v8, v8;
	v15 =	vnsel vm11, $0xFF800000, v15  }
0xbd: {  	vm0 =	vmand vm8, vm0;
	(xrf0) =	vmax.scan.msk.f32 $0xffff, v15;
	v15 =	vmul.f32 $1.442695020e+00, v48  }
0xbe: {  	v39 =	vsel vm14, $0x1, v1;
	vm0 =	vmor vm10, vm0;
	(xrf1) =	vsort.dscd.msk.f32 $0xffff, v10, v10;
	vm2 =	vmand vm9, vm4  }
0xbf: {  	vm4 =	vmand vm7, vm13;
	v11 =	vadd.s32 v11, v9;
	v36 =	vpop (erf);
	(erf) = vpow2.f32 v15;
	v15 =	vld [tilespmem:$0x1FFC0]  }
0xc0: {  	vm7 =	vle.s32 v11, v28;
	v24 =	vsub.f32 v7, v25;
	v49 =	vsub.f32 v4, v25;
	v51, _, _ =	vpop (xrf1)  }
0xc1: {  	v37 =	vsel vm12, $0x1, v1;
	vm5 =	vmand vm5, vm15;
	vm7 =	vmand vm3, vm7;
	v53, _, _ =	vpop (xrf0)  }
0xc2: {  	v62 =	vld [tilespmem:$0x1FFB0];
	vm3 =	vmor vm6, vm2;
	v50 =	vmul.f32 $1.442695020e+00, v24;
	v24 =	vmul.f32 $1.442695020e+00, v49;
	v52, _, _ =	vpop (xrf1)  }
0xc3: {  	vm1 =	vmor vm1, vm7;
	v49 =	vsub.f32 $0.0e+00, v32;
	v18 =	vmul.f32 v18, v36;
	v57, _, _ =	vpop (xrf0);
	(xrf0) =	vadd.scan.msk.s32 $0xffff, v39  }
0xc4: {  	v9 =	vmovc v33;
	v11 =	vmovc v4;
	v19 =	vmul.f32 v19, v36;
	vm2 =	vnez.u8 v15;
	v15 =	vperm.xlane v52, v0  }
0xc5: {  	v17 =	vmul.f32 v17, v36;
	v26 =	vmul.f32 v26, v36;
	v56 =	vsub.f32 v21, v53;
	v54, _, _ =	vpop (xrf1)  }
0xc6: {  	v4 =	vmovc v35;
	v38 =	vsub.f32 v47, v53;
	v55 =	vsub.f32 v23, v53;
	v15 =	vsel vm11, v54, v15  }
0xc7: {  	v43, _, _ =	vpop (xrf1);
	vm4 =	vmor vm2, vm4;
	vm2 =	vnez.u8 v62;
	(xrf1) =	vsort.dscd.msk.f32 $0xffff, v15, v15;
	v15 =	vperm.xlane v57, v0  }
0xc8: {  	v35 =	vperm.xlane v51, v0;
	v58 =	vsub.f32 v22, v53;
	v59, _, _ =	vpop (xrf1);
	vm2 =	vmor vm2, vm5  }
0xc9: {  	v40 =	vmul.f32 $1.442695020e+00, v56;
	(erf) = vpow2.f32 v50;
	v18 =	vnsel vm2, $0x0, v18;
	(xrf0) =	vmax.scan.msk.f32 $0xffff, v15;
	v56, _, _ =	vpop (xrf0)  }
0xca: {  	v60 =	vperm.xlane v59, v0;
	v61, _, _ =	vpop (xrf1);
	[tilespmem:s9+$0xFFFFFFC0] =	vst v18;
	v18 =	vnsel vm0, $0x0, v26;
	v26 =	vadd.s32 v56, v16;
	v16 =	vld [tilespmem:$0x1FFE0]  }
0xcb: {  	v33 =	vsub.f32 v20, v53;
	v44 =	vmul.f32 $1.442695020e+00, v38;
	v35 =	vsel vm11, v43, v35;
	v48, _, _ =	vpop (xrf1)  }
0xcc: {  	v63 =	vperm.xlane v61, v0;
	v50 =	vsel vm11, v48, v60;
	v51, _, _ =	vpop (xrf1);
	v17 =	vnsel vm4, $0x0, v17;
	(xrf1) =	vsort.dscd.msk.f32 $0xffff, v35, v35  }
0xcd: {  	v53 =	vnsel vm11, $0xFF800000, v49;
	(erf) = vpow2.f32 v44;
	[tilespmem:s9+$0xFFFFFFE0] =	vst v17;
	v17 =	vld [tilespmem:$0x1FF70];
	v54 =	vpop (erf);
	(xrf1) =	vsort.dscd.msk.f32 $0xffff, v50, v50  }
0xce: {  	v41 =	vmul.f32 $1.442695020e+00, v55;
	v35 =	vsel vm11, v51, v63;
	v55 =	vnsel vm11, $0x0, v54;
	(xrf0) =	vadd.scan.msk.s32 $0xffff, v37  }
0xcf: {  	(xrf2) =	vadd.scan.msk.f32 $0xffff, v55;
	vm0 =	vnez.u8 v16;
	v16 =	vmov v7;
	v7 =	vmov v27;
	v27, _, _ =	vpop (xrf0)  }
0xd0: {  	(xrf1) =	vsort.dscd.msk.f32 $0xffff, v35, v35;
	v14 =	vnsel vm0, $0x0, v14;
	vm0 =	vle.s32 v26, v28;
	v26 =	vsub.f32 $0.0e+00, v27;
	v27 =	vld [tilespmem:$0x1FFA0]  }
0xd1: {  	v19 =	vnsel vm3, $0x0, v19;
	v52 =	vmul.f32 $1.442695020e+00, v58;
	v57 =	vnsel vm1, $0x0, v34  }
0xd2: {  	(erf) = vpow2.f32 v41;
	(xrf0) =	vmax.scan.msk.f32 $0xffff, v53;
	vm2 =	vnez.u8 v17;
	vm1 =	vmand vm14, vm0  }
0xd3: {  	v15 =	vpop (erf);
	(erf) = vpow2.f32 v40;
	v17 =	vimm.s32 $0x0;
	vm1 =	vmor vm2, vm1  }
0xd4: {  	v13 =	vmovc v3;
	vm9 =	veq.f32 v21, v26;
	vm8 =	veq.f32 v20, v26;
	vm7 =	veq.f32 v22, v26  }
0xd5: {  	[tilespmem:s9+$0xFFFFFFD0] =	vst v19;
	v19, _, _ =	vpop (xrf0);
	vm5 =	veq.f32 v23, v26;
	vm6 =	vgt.f32 v21, v26;
	vm0 =	vnez.u8 v27  }
0xd6: {  	[tilespmem:s9+$0xFFFFFFF0] =	vst v18;
	vm2 =	vgt.f32 v22, v26;
	v17 =	vsel vm1, $0xFFFFFFFF, v17;
	v58 =	vnsel vm0, $0x0, v12;
	v12 =	vpop (erf)  }
0xd7: {  	v21 =	vimm.s32 $0x0;
	v59 =	vsel vm8, $0x1, v1;
	[tilespmem:$0x1FFA0] =	vst v17;
	v18, _, _ =	vpop (xrf1);
	v17 =	vnsel vm11, $0x0, v12  }
0xd8: {  	vm1 =	vgt.f32 v23, v26;
	vm0 =	vle.s32 v19, v28;
	v19, _, _ =	vpop (xrf0);
	(xrf2) =	vadd.scan.msk.f32 $0xffff, v17;
	v17 =	vperm.xlane v18, v0  }
0xd9: {  	v3 =	vmovc v29;
	[tilespmem:s10+$0x0] =	vst v14;
	v14 =	vmovc v30;
	v30 =	vsel vm7, $0x1, v1;
	v21 =	vsel vm1, $0xFFFFFFFF, v21;
	v60 =	vperm.xlane v19, v0  }
0xda: {  	v22 =	vmpcnt.ones.xlane vm6;
	[tilespmem:$0x1FFB0] =	vst v21;
	(erf) = vpow2.f32 v52;
	(xrf0) =	vadd.scan.msk.s32 $0xffff, v59;
	v19, _, _ =	vpop (xrf2)  }
0xdb: {  	v21 =	vmpcnt.ones.xlane vm1;
	v28 =	vsel vm9, $0x1, v1;
	v23, _, _ =	vpop (xrf1);
	v63 =	vperm.xlane v19, v0;
	(xrf0) =	vmax.scan.msk.f32 $0xffff, v60  }
0xdc: {  	v29 =	vsub.f32 v5, v25;
	v62 =	vimm.s32 $0x0;
	v61 =	vsel vm11, v23, v17;
	(xrf0) =	vadd.scan.msk.s32 $0xffff, v28;
	v17, _, _ =	vpop (xrf1)  }
0xdd: {  	vm10 =	vgt.f32 v20, v26;
	v21 =	vadd.s32 v22, v21;
	(xrf0) =	vmax.scan.msk.f32 $0xffff, v63;
	v22 =	vperm.xlane v17, v0  }
0xde: {  	v12 =	vmov v31;
	v31 =	vsel vm2, $0xFFFFFFFF, v62;
	v23 =	vmpcnt.ones.xlane vm2;
	(xrf0) =	vadd.scan.msk.s32 $0xffff, v30;
	v30, _, _ =	vpop (xrf1)  }
0xdf: {  	[tilespmem:$0x1FFC0] =	vst v31;
	v31 =	vmpcnt.ones.xlane vm10;
	(xrf1) =	vsort.dscd.msk.f32 $0xffff, v61, v61;
	v22 =	vsel vm11, v30, v22  }
0xe0: {  	v29 =	vmul.f32 $1.442695020e+00, v29;
	v33 =	vmul.f32 $1.442695020e+00, v33;
	v18 =	vpop (erf);
	v21 =	vadd.s32 v23, v21;
	(xrf1) =	vsort.dscd.msk.f32 $0xffff, v22, v22;
	v22 =	vld [tilespmem:$0x1FF80]  }
0xe1: {  	v20 =	vmpcnt.ones.xlane vm5;
	v19 =	vpop (erf);
	v21 =	vadd.s32 v31, v21;
	v31 =	vmpcnt.ones.xlane vm9  }
0xe2: {  	s11 =	sadd.s32 $0x2, s11;
	v27 =	vsel vm5, $0x1, v1;
	vm0 =	vmand vm12, vm0;
	(erf) = vpow2.f32 v33;
	v26, _, _ =	vpop (xrf0)  }
0xe3: {  	p0 =	slt.u32 s11, $0x1FE;
	v17 =	vpop (erf);
	(erf) = vpow2.f32 v29;
	v29 =	vsub.f32 v13, v25;
	v25 =	vadd.s32 v20, v31  }
.Ltmp0:
0xe4: {  	v28, _, _ =	vpop (xrf0);
	(erf) = vpow2.f32 v24;
	v24 =	vsub.s32 $0x8, v21;
	v21 =	vmpcnt.ones.xlane vm7;
	(pc) =	sbr.rel @p0 .LBB2_2-.Ltmp0, $4  }
0xe5: {  	v28 =	vsub.f32 $0.0e+00, v28;
	v30 =	vmul.f32 $1.442695020e+00, v29;
	vm1 =	vnez.u8 v22  }
0xe6: {  	[tilespmem:s9+$0x10] =	vst v57;
	v31 =	vadd.s32 v26, v21;
	v23, _, _ =	vpop (xrf2);
	v22 =	vimm.s32 $0x0;
	vm0 =	vmor vm1, vm0  }
0xe7: {  	[tilespmem:s10+$0x20] =	vst v58;
	vm15 =	veq.f32 v13, v28;
	v26 =	vperm.xlane v23, v0;
	v23, _, _ =	vpop (xrf0);
	v22 =	vsel vm0, $0xFFFFFFFF, v22  }
0xe8: {  	s12 =	sadd.s32 $0x80, s12;
	s10 =	smov.u32 s9;
	v29 =	vsel vm15, $0x1, v1;
	(erf) = vpow2.f32 v30;
	v21, _, _ =	vpop (xrf0);
	[tilespmem:$0x1FFE0] =	vst v22;
	v22 =	vadd.s32 v25, v31  }
0xe9: {  	_ = 	snop  }
0xea: {  	(xrf0) =	vadd.scan.msk.s32 $0xffff, v29  }
0xeb: {  	vm1 =	veq.f32 v5, v28;
	(erf) = vrcp.f32 v21;
	vm3 =	vgt.f32 v13, v28;
	(xrf0) =	vmax.scan.msk.f32 $0xffff, v26  }
0xec: {  	vm2 =	vgt.f32 v16, v28;
	v52 =	vimm.s32 $0x0;
	v57 =	vld [tilespmem:$0x1FFF0];
	v48 =	vsel vm1, $0x1, v1;
	(xrf0) =	vadd.scan.msk.s32 $0xffff, v27  }
0xed: {  	vm0 =	vgt.f32 v5, v28;
	vm11 =	vgt.f32 v11, v28;
	vm12 =	veq.f32 v16, v28;
	(xrf0) =	vadd.scan.msk.s32 $0xffff, v48;
	v49, _, _ =	vpop (xrf1)  }
0xee: {  	v50, _, _ =	vpop (xrf0);
	vm14 =	veq.f32 v11, v28;
	v20 =	vadd.s32 v20, v23;
	v53 =	vmpcnt.ones.xlane vm3;
	(xrf0) =	vmax.scan.msk.f32 $0xffff, v49  }
0xef: {  	v21 =	vsel vm2, $0xFFFFFFFF, v52;
	v54 =	vmpcnt.ones.xlane vm2;
	v33 =	vmpcnt.ones.xlane vm0;
	v51, _, _ =	vpop (xrf1)  }
0xf0: {  	v55 =	vmpcnt.ones.xlane vm11;
	v56 =	vmpcnt.ones.xlane vm12;
	v29, _, _ =	vpop (xrf0);
	v35 =	vsub.f32 $0.0e+00, v51  }
0xf1: {  	v59 =	vmpcnt.ones.xlane vm1;
	v11 =	vmpcnt.ones.xlane vm14;
	vm13 =	vnez.u8 v57;
	v30, _, _ =	vpop (xrf0);
	(xrf0) =	vmax.scan.msk.f32 $0xffff, v51  }
0xf2: {  	[tilespmem:$0x1FF30] =	vst v21;
	v21 =	vadd.s32 v33, v54;
	v31, _, _ =	vpop (xrf0);
	(erf) = vrcp.f32 v30;
	v30 =	vnsel vm13, $0xFF800000, v35  }
0xf3: {  	v42 =	vsel vm14, $0x1, v1;
	v44 =	vsel vm12, $0x1, v1;
	v16 =	vadd.s32 v55, v21;
	v32, _, _ =	vpop (xrf0);
	(xrf0) =	vmax.scan.msk.f32 $0xffff, v30  }
0xf4: {  	v47 =	vadd.s32 v50, v25;
	v5 =	vadd.s32 v53, v16;
	v43 =	vsub.f32 $0.0e+00, v49;
	v34, _, _ =	vpop (xrf0)  }
0xf5: {  	v11 =	vadd.s32 v29, v11;
	v30 =	vadd.s32 v56, v59;
	v36 =	vsub.f32 v49, v34  }
0xf6: {  	v28 =	vpop (erf);
	v57 =	vimm.s32 $0x0;
	v21 =	vsub.s32 $0x8, v5;
	v11 =	vadd.s32 v30, v11  }
0xf7: {  	vm4 =	vle.s32 v11, v21;
	v60 =	vsub.f32 v7, v34;
	v63, _, _ =	vpop (xrf0);
	v58 =	vmul.f32 $1.442695020e+00, v36  }
0xf8: {  	v39 =	vld [tilespmem:$0x1FFE0];
	v61 =	vpop (erf);
	v48 =	vadd.s32 v56, v32;
	vm2 =	vmand vm15, vm4;
	v13 =	vsub.f32 v51, v63  }
0xf9: {  	vm15 =	vle.s32 v20, v24;
	v62 =	vmul.f32 $1.442695020e+00, v60;
	v41, _, _ =	vpop (xrf0);
	(erf) = vpow2.f32 v58  }
0xfa: {  	v5 =	vpop (erf);
	vm4 =	vle.s32 v47, v24;
	v13 =	vmul.f32 $1.442695020e+00, v13;
	v36 =	vperm.xlane v41, v0  }
0xfb: {  	v40 =	vpop (erf);
	(xrf0) =	vadd.scan.msk.s32 $0xffff, v42;
	v49 =	vsub.f32 v9, v34;
	v50 =	vsub.f32 v4, v34;
	(erf) = vpow2.f32 v62  }
0xfc: {  	v54 =	vld [tilespmem:$0x1FFC0];
	v11 =	vpop (erf);
	vm2 =	vmor vm3, vm2;
	vm3 =	vle.s32 v22, v24;
	(erf) = vpow2.f32 v13;
	(xrf0) =	vmax.scan.msk.f32 $0xffff, v36  }
0xfd: {  	vm4 =	vmand vm7, vm4;
	vm7 =	vnez.u8 v39;
	v16 =	vmul.f32 v40, v11  }
0xfe: {  	vm3 =	vmand vm8, vm3;
	v52 =	vmul.f32 v61, v11;
	v56 =	vsub.f32 v10, v63  }
0xff: {  	v22 =	vmul.f32 $1.442695020e+00, v50;
	v59 =	vsub.f32 v6, v63;
	v29 =	vsub.f32 v2, v63  }
0x100: {  	v14 =	vnsel vm7, $0x0, v14;
	v40 =	vsub.f32 v3, v34;
	v45 =	vpop (erf);
	v13 =	vnsel vm13, $0xFF800000, v43;
	(xrf0) =	vadd.scan.msk.s32 $0xffff, v44  }
0x101: {  	vm3 =	vmor vm10, vm3;
	vm10 =	vnez.u8 v54;
	v16 =	vnsel vm2, $0x0, v16;
	v51, _, _ =	vpop (xrf0);
	(xrf0) =	vmax.scan.msk.f32 $0xffff, v13  }
0x102: {  	v38 =	vld [tilespmem:$0x1FFB0];
	vm2 =	vmand vm9, vm15;
	vm15 =	vle.s32 v48, v21;
	vm9 =	vle.s32 v31, v24;
	v53, _, _ =	vpop (xrf0)  }
0x103: {  	v61 =	vmul.f32 $1.442695020e+00, v56;
	v29 =	vmul.f32 $1.442695020e+00, v29;
	vm1 =	vmand vm1, vm15;
	v46 =	vpop (erf)  }
0x104: {  	vm5 =	vmand vm5, vm9;
	v25 =	vsub.f32 $0.0e+00, v53;
	v20 =	vnsel vm13, $0x0, v46;
	v13 =	vpop (erf)  }
0x105: {  	vm2 =	vmor vm6, vm2;
	vm6 =	vmor vm10, vm4;
	v62 =	vsub.f32 v8, v63;
	(xrf2) =	vadd.scan.msk.f32 $0xffff, v20;
	v55 =	vpop (erf)  }
0x106: {  	v63 =	vmul.f32 $1.442695020e+00, v59;
	v26, _, _ =	vpop (xrf0);
	v31 =	vnsel vm13, $0x0, v55;
	vm13 =	veq.f32 v2, v25  }
0x107: {  	vm15 =	vnez.u8 v38;
	v58, _, _ =	vpop (xrf0);
	v33 =	vsel vm13, $0xFFFFFFFF, v57;
	v60 =	vsel vm13, $0x1, v1  }
0x108: {  	v18 =	vmul.f32 v18, v45;
	[tilespmem:$0x1FF40] =	vst v33;
	v33 =	vperm.xlane v58, v0;
	(xrf0) =	vadd.scan.msk.s32 $0xffff, v60  }
0x109: {  	vm0 =	vmor vm0, vm1;
	v19 =	vmul.f32 v19, v45;
	v17 =	vmul.f32 v17, v45  }
0x10a: {  	v27 =	vmul.f32 v28, v45;
	vm5 =	vmor vm15, vm5;
	v43 =	vmul.f32 $1.442695020e+00, v40;
	(xrf0) =	vmax.scan.msk.f32 $0xffff, v33  }
0x10b: {  	v23 =	vadd.s32 v51, v30;
	(erf) = vpow2.f32 v61;
	v32 =	vmul.f32 $1.442695020e+00, v62  }
0x10c: {  	v24 =	vnsel vm0, $0x0, v52;
	vm8 =	vle.s32 v23, v21;
	v62 =	vimm.s32 $0x0  }
0x10d: {  	v18 =	vnsel vm5, $0x0, v18;
	v19 =	vnsel vm2, $0x0, v19;
	(erf) = vpow2.f32 v63;
	(xrf2) =	vadd.scan.msk.f32 $0xffff, v31  }
0x10e: {  	v17 =	vnsel vm6, $0x0, v17;
	vm8 =	vmand vm14, vm8;
	(erf) = vpow2.f32 v32;
	v58 =	vld [tilespmem:$0x1FFA0];
	v28, _, _ =	vpop (xrf0)  }
0x10f: {  	v27 =	vnsel vm3, $0x0, v27;
	vm14 =	vmor vm11, vm8;
	(erf) = vpow2.f32 v29;
	v36, _, _ =	vpop (xrf2)  }
0x110: {  	v20 =	vmul.f32 $1.442695020e+00, v49;
	vm4 =	veq.f32 v6, v25;
	vm9 =	veq.f32 v8, v25;
	v41, _, _ =	vpop (xrf0)  }
0x111: {  	v37 =	vsel vm4, $0x1, v1;
	v31 =	vperm.xlane v36, v0;
	v42 =	vsub.f32 $0.0e+00, v41  }
0x112: {  	v49 =	vimm.s32 $0x0;
	v45 =	vsel vm9, $0x1, v1;
	(erf) = vpow2.f32 v20;
	(xrf0) =	vadd.scan.msk.s32 $0xffff, v37  }
0x113: {  	(erf) = vpow2.f32 v22;
	vm13 =	vnez.u8 v58;
	(xrf0) =	vmax.scan.msk.f32 $0xffff, v31;
	vm10 =	veq.f32 v3, v42  }
0x114: {  	v12 =	vnsel vm13, $0x0, v12;
	vm13 =	vle.s32 v26, v21;
	(xrf0) =	vadd.scan.msk.s32 $0xffff, v45;
	v46 =	vsel vm10, $0x1, v1  }
0x115: {  	vm11 =	veq.f32 v10, v25;
	(erf) = vpow2.f32 v43;
	vm1 =	vmand vm12, vm13;
	(xrf0) =	vadd.scan.msk.s32 $0xffff, v46  }
0x116: {  	vm3 =	vgt.f32 v7, v42;
	vm0 =	vgt.f32 v4, v42;
	vm15 =	vgt.f32 v3, v42  }
0x117: {  	v44, _, _ =	vpop (xrf2);
	vm7 =	vgt.f32 v9, v42;
	vm5 =	veq.f32 v7, v42;
	v3 =	vmpcnt.ones.xlane vm15  }
0x118: {  	v22, _, _ =	vpop (xrf0);
	vm2 =	veq.f32 v9, v42;
	v50 =	vmpcnt.ones.xlane vm3;
	v51 =	vmpcnt.ones.xlane vm7  }
0x119: {  	vm6 =	veq.f32 v4, v42;
	v52 =	vmpcnt.ones.xlane vm0;
	v53 =	vmpcnt.ones.xlane vm5;
	v47, _, _ =	vpop (xrf0)  }
0x11a: {  	v56 =	vmpcnt.ones.xlane vm2;
	v57 =	vmpcnt.ones.xlane vm6;
	v55 =	vadd.s32 v51, v50;
	v54, _, _ =	vpop (xrf0)  }
0x11b: {  	v48 =	vperm.xlane v44, v0;
	v23 =	vsel vm0, $0xFFFFFFFF, v49;
	v20 =	vadd.s32 v52, v55;
	v59, _, _ =	vpop (xrf0)  }
0x11c: {  	v61 =	vadd.s32 v53, v56;
	v3 =	vadd.s32 v3, v20;
	v21 =	vadd.s32 v59, v57  }
0x11d: {  	(erf) = vrcp.f32 v47;
	v3 =	vsub.s32 $0x8, v3;
	v21 =	vadd.s32 v61, v21  }
0x11e: {  	v7 =	vpop (erf);
	[tilespmem:$0x1FF60] =	vst v23;
	v23 =	vsel vm14, $0xFFFFFFFF, v62;
	(xrf0) =	vmax.scan.msk.f32 $0xffff, v48;
	vm8 =	vle.s32 v21, v3  }
0x11f: {  	v9 =	vpop (erf);
	vm14 =	vgt.f32 v6, v25;
	vm0 =	vmand vm10, vm8;
	vm10 =	vgt.f32 v10, v25  }
0x120: {  	vm13 =	vgt.f32 v8, v25;
	v60 =	vpop (erf);
	v6 =	vmpcnt.ones.xlane vm14;
	v39 =	vmpcnt.ones.xlane vm10  }
0x121: {  	vm12 =	vgt.f32 v2, v25;
	v2 =	vmpcnt.ones.xlane vm11;
	v8 =	vmpcnt.ones.xlane vm13;
	v63 =	vpop (erf)  }
0x122: {  	s9 =	sadd.s32 $0x80, s9;
	v45 =	vmpcnt.ones.xlane vm4;
	[tilespmem:$0x1FF50] =	vst v23;
	v36 =	vpop (erf);
	v25 =	vmpcnt.ones.xlane vm12;
	v6 =	vadd.s32 v6, v39  }
0x123: {  	v37 =	vsel vm11, $0x1, v1;
	v42 =	vsel vm2, $0x1, v1;
	v38 =	vpop (erf);
	v47 =	vld [tilespmem:$0x1FF30];
	[tilespmem:s9+$0x30] =	vst v16;
	v6 =	vadd.s32 v8, v6  }
0x124: {  	v48 =	vadd.s32 v2, v45;
	[tilespmem:s9+$0xFFFFFFC0] =	vst v18;
	v40, _, _ =	vpop (xrf0);
	(xrf0) =	vadd.scan.msk.s32 $0xffff, v37;
	v6 =	vadd.s32 v25, v6  }
0x125: {  	v41 =	vpop (erf);
	v2 =	vadd.s32 v2, v22;
	[tilespmem:s9+$0xFFFFFFD0] =	vst v19;
	(xrf0) =	vadd.scan.msk.s32 $0xffff, v42;
	v6 =	vsub.s32 $0x8, v6  }
0x126: {  	v43 =	vpop (erf);
	(erf) = vrcp.f32 v40;
	vm8 =	vle.s32 v2, v6;
	v2 =	vld [tilespmem:$0x1FF40];
	_ =	sdelay $0x1  }
0x127: {  	v46 =	vmpcnt.ones.xlane vm9  }
0x128: {  	v51 =	vsel vm6, $0x1, v1;
	vm0 =	vmor vm15, vm0;
	vm15 =	vnez.u8 v47  }
0x129: {  	v56 =	vmul.f32 v15, v11;
	v49 =	vadd.s32 v28, v46;
	vm15 =	vmor vm15, vm1;
	v50, _, _ =	vpop (xrf0)  }
0x12a: {  	v44 =	vmul.f32 v41, v43;
	[tilespmem:s9+$0xFFFFFFE0] =	vst v17;
	vm1 =	vmand vm4, vm8;
	vm8 =	vnez.u8 v2;
	v2, _, _ =	vpop (xrf0)  }
0x12b: {  	v52 =	vsel vm5, $0x1, v1;
	v16 =	vadd.s32 v48, v49;
	[tilespmem:s9+$0xFFFFFFF0] =	vst v27;
	v2 =	vadd.s32 v53, v2  }
0x12c: {  	v8 =	vadd.s32 v54, v48;
	v10 =	vnsel vm0, $0x0, v44;
	vm0 =	vle.s32 v16, v6;
	[tilespmem:s10+$0x0] =	vst v14  }
0x12d: {  	(xrf0) =	vadd.scan.msk.s32 $0xffff, v51;
	[tilespmem:s9+$0x10] =	vst v24;
	vm0 =	vmand vm8, vm0;
	vm8 =	vle.s32 v8, v6  }
0x12e: {  	[tilespmem:s10+$0x20] =	vst v12;
	vm4 =	vmand vm9, vm8;
	vm9 =	vle.s32 v50, v6;
	vm8 =	vle.s32 v2, v3;
	v2 =	vpop (erf)  }
0x12f: {  	s31 =	sadd.s32 $0x80, s9;
	(xrf0) =	vadd.scan.msk.s32 $0xffff, v52;
	vm2 =	vmand vm2, vm8;
	vm8 =	vmand vm11, vm9;
	v53 =	vmul.f32 v7, v2  }
0x130: {  	[tilespmem:s31+$0x30] =	vst v10;
	v8 =	vnsel vm15, $0x0, v56;
	vm8 =	vmor vm10, vm8;
	v54 =	vmul.f32 v9, v2  }
0x131: {  	vm1 =	vmor vm14, vm1;
	[tilespmem:s9+$0x0] =	vst v8;
	v55 =	vmul.f32 v60, v2;
	v4 =	vnsel vm8, $0x0, v53  }
0x132: {  	vm4 =	vmor vm13, vm4;
	v2 =	vmul.f32 v63, v2;
	v6 =	vnsel vm1, $0x0, v54;
	[tilespmem:s31+$0xFFFFFFC0] =	vst v4  }
0x133: {  	v58 =	vmul.f32 v36, v43;
	vm0 =	vmor vm12, vm0;
	v57 =	vnsel vm4, $0x0, v55;
	[tilespmem:s31+$0xFFFFFFD0] =	vst v6  }
0x134: {  	v59, _, _ =	vpop (xrf0);
	vm2 =	vmor vm7, vm2;
	v2 =	vnsel vm0, $0x0, v2;
	[tilespmem:s31+$0xFFFFFFE0] =	vst v57  }
0x135: {  	v60 =	vadd.s32 v59, v61;
	v62 =	vnsel vm2, $0x0, v58;
	v61, _, _ =	vpop (xrf0);
	[tilespmem:s31+$0xFFFFFFF0] =	vst v2  }
0x136: {  	vm12 =	vle.s32 v60, v3;
	vm13 =	vle.s32 v61, v3;
	v3 =	vld [tilespmem:$0x1FF50];
	[tilespmem:s31+$0x10] =	vst v62  }
0x137: {  	v4 =	vld [tilespmem:$0x1FF60];
	_ =	sdelay $0x2  }
0x138: {  	v5 =	vmul.f32 v5, v11;
	vm1 =	vmand vm5, vm13;
	v2 =	vmul.f32 v13, v43  }
0x139: {  	v63 =	vmul.f32 v38, v43;
	vm0 =	vmand vm6, vm12;
	vm1 =	vmor vm3, vm1  }
0x13a: {  	v2 =	vnsel vm1, $0x0, v2;
	vm14 =	vnez.u8 v3;
	vm15 =	vnez.u8 v4  }
0x13b: {  	s8 =	sadd.s32 $0x1, s8;
	[tilespmem:s31+$0x0] =	vst v2;
	v3 =	vnsel vm14, $0x0, v5;
	vm0 =	vmor vm15, vm0  }
0x13c: {  	p0 =	sne.s32 s8, s5;
	[tilespmem:s9+$0x20] =	vst v3;
	v3 =	vnsel vm0, $0x0, v63  }
.Ltmp1:
0x13d: {  	[tilespmem:s31+$0x20] =	vst v3;
	(pc) =	sbr.rel @p0 .LBB2_1-.Ltmp1, $4  }
0x13e: {  	[hbm4b:s4+s2] =	stream.linear.scatter [tilespmem:s7], [sflag:$0x1], $0x8000, $0x38;
	[tilespmem:$0x10000] =	vst v63  }
0x13f: {  	_ =	swait.ge [sflag:s6], $0x8000  }
0x140: {  	[sflag:s6] =	ssyncset.done $0x0  }
0x141: {  	[sflag:s6] =	ssyncadd.s32 $0xFFFF8000  }
0x142: {  	_ =	sfence.sel $0x180000  }
0x143: {  	[bflag:$0x0] =	sbarrier.arrive $0xFFFF  }
0x144: {  	p0 =	sne.s32 s1, $0x0;
	_ =	strace $0x90000047  }
0x145: {  	s0 =	sadd.s32 @!p0 $0x100000, s0;
	[bflag:$0x2] =	sbarrier.arrive $0xFFFF  }
0x146: {  	[sflag:s0] =	ssyncadd.tile.s32 @!p0 $0x1;
	_ =	shalt  }
.Lfunc_end2:
_tile_overlayer_lowered:
.L_overlay_start_2:
0x147: {  	(tag) =	ssettag $0x2  }
0x148: {  	s0 =	rddreg [dreg:$0x0];
	s2 =	stileid.u32  }
0x149: {  	s1 =	rddreg [dreg:$0x1];
	p0 =	sne.s32 s2, $0x0  }
0x14a: {  	s3 =	rddreg [dreg:$0x2];
	[bflag:$0x3] =	sbarrier.arrive $0xFFFF;
	s2 =	simm.s32 @!p0 $0x1C01  }
0x14b: {  	[timem:s3], [sflag:s2] =	dma.local @!p0 [hbm:s0], s1  }
0x14c: {  	s0 =	simm.s32 @!p0 $0x1  }
0x14d: {  	_ =	swait.ge @!p0 [sflag:s0], s1  }
0x14e: {  	s1 =	ssub.s32 @!p0 $0x0, s1;
	[sflag:s0] =	ssyncset.done @!p0 $0x0  }
0x14f: {  	[sflag:s0] =	ssyncadd.s32 @!p0 s1  }
0x150: {  	[bflag:$0x3] =	sbarrier.arrive $0xFFFF  }
0x151: {  	_ =	shalt  }

</sc_bundles>
